<compile_context>
chip_gen: v7x
topology: tpu7x:2x2x1
jax: 0.10.2.dev20260603
libtpu: 0.0.44.dev20260713+nightly
codegen_flags: <defaults>
</compile_context>

<pallas_src>
import functools

import jax
import jax.numpy as jnp
from jax import lax
from jax.experimental import pallas as pl
from jax.experimental.pallas import tpu as pltpu
from jax.experimental.pallas import tpu_sc as plsc

VOCAB = 1000000
HIDDEN = 64
SEQ_LEN = 200
BATCH = 4096
N = BATCH * SEQ_LEN
NC, NS, LANES = 2, 16, 16
NW = NC * NS
BBLK = BATCH // NW
HQ = HIDDEN // LANES
CL = 2
CTOK = CL * BBLK
NCHUNK = SEQ_LEN // CL
NGRP = BBLK // LANES
LN_EPS = 1e-8


def _rsqrt(x):
    i = lax.bitcast_convert_type(x, jnp.int32)
    i = jnp.int32(0x5F3759DF) - lax.shift_right_logical(i, 1)
    y = lax.bitcast_convert_type(i, jnp.float32)
    for _ in range(3):
        y = y * (1.5 - 0.5 * x * y * y)
    return y


def _emb_body(tok_hbm, word_hbm, pos_hbm, gam_hbm, bet_hbm, out_hbm,
              tokv_all, rowsa, rowsb, outa, outb,
              pos_v, gv, bv, sga, sgb, swa, swb):
    wid = lax.axis_index("s") * NC + lax.axis_index("c")
    b0 = wid * BBLK

    pltpu.sync_copy(pos_hbm, pos_v)
    pltpu.sync_copy(tok_hbm.at[:, pl.ds(b0, BBLK)],
                    tokv_all.at[:, pl.ds(0, BBLK)])
    pltpu.sync_copy(gam_hbm, gv)
    pltpu.sync_copy(bet_hbm, bv)

    gvec = [gv[pl.ds(i * LANES, LANES)] for i in range(HQ)]
    bvec = [bv[pl.ds(i * LANES, LANES)] for i in range(HQ)]
    lane = lax.iota(jnp.int32, LANES)
    lane_hi = lax.shift_right_logical(lane, 3)
    lane_lo = lane & 7
    rowq = [lane_hi + 2 * q for q in range(HQ)]
    zero = lane & 0
    hsp = [zero + h for h in range(LANES)]

    def issue_gather(c, rows, sem):
        l0 = c * CL
        for li in range(CL):
            pltpu.async_copy(
                word_hbm.at[tokv_all.at[l0 + li, pl.ds(0, BBLK)]],
                rows.at[pl.ds(li * BBLK, BBLK)], sem)

    def wait_gather(rows, sem):
        for li in range(CL):
            pltpu.make_async_copy(
                word_hbm.at[tokv_all.at[0, pl.ds(0, BBLK)]],
                rows.at[pl.ds(li * BBLK, BBLK)], sem).wait()

    def compute(c, rows, outv):
        l0 = c * CL

        @plsc.parallel_loop(0, CTOK, 1, unroll=4)
        def token_body(g):
            li = lax.shift_right_logical(g, 7)
            t = g & (BBLK - 1)
            l = l0 + li
            tok = tokv_all[l, pl.ds(t, LANES)][0]
            x = [rows[g, pl.ds(i * LANES, LANES)]
                 + pos_v[pl.ds(l * HIDDEN + i * LANES, LANES)]
                 for i in range(HQ)]
            s = (x[0] + x[1]) + (x[2] + x[3])
            ss = (x[0] * x[0] + x[1] * x[1]) + (x[2] * x[2] + x[3] * x[3])
            mean = jnp.sum(s) * (1.0 / HIDDEN)
            var = jnp.sum(ss) * (1.0 / HIDDEN) - mean * mean
            rs = _rsqrt(var + LN_EPS)
            msk = jnp.where(tok != 0, jnp.float32(1.0), jnp.float32(0.0))
            rsm = rs * msk
            tvec = zero + t
            livec = zero + li
            for i in range(HQ):
                y = (x[i] - mean) * rsm * gvec[i] + msk * bvec[i]
                plsc.store_scatter(
                    outv, [livec, rowq[i], zero, lane_lo, tvec], y)

    def issue_wb(c, outv, sem):
        pltpu.async_copy(outv, out_hbm.at[pl.ds(c * CL, CL), :,
                                          pl.ds(wid, 1)], sem)

    def wait_wb(outv, sem):
        pltpu.make_async_copy(outv, out_hbm.at[pl.ds(0, CL), :,
                                               pl.ds(wid, 1)], sem).wait()

    issue_gather(0, rowsa, sga)
    issue_gather(1, rowsb, sgb)

    def body(k, carry):
        c = 2 * k
        wait_gather(rowsa, sga)

        @pl.when(k > 0)
        def _():
            wait_wb(outa, swa)

        compute(c, rowsa, outa)
        issue_wb(c, outa, swa)

        @pl.when(k < NCHUNK // 2 - 1)
        def _():
            issue_gather(c + 2, rowsa, sga)

        wait_gather(rowsb, sgb)

        @pl.when(k > 0)
        def _():
            wait_wb(outb, swb)

        compute(c + 1, rowsb, outb)
        issue_wb(c + 1, outb, swb)

        @pl.when(k < NCHUNK // 2 - 1)
        def _():
            issue_gather(c + 3, rowsb, sgb)

        return carry

    lax.fori_loop(0, NCHUNK // 2, body, 0)
    wait_wb(outa, swa)
    wait_wb(outb, swb)


_emb = functools.partial(
    pl.kernel,
    out_type=jax.ShapeDtypeStruct((SEQ_LEN, 8, NW, 8, BBLK), jnp.float32),
    mesh=plsc.VectorSubcoreMesh(core_axis_name="c", subcore_axis_name="s",
                                num_cores=NC, num_subcores=NS),
    compiler_params=pltpu.CompilerParams(needs_layout_passes=False,
                                         use_tc_tiling_on_sc=False),
    scratch_types=[
        pltpu.VMEM((SEQ_LEN, 144), jnp.int32),
        pltpu.VMEM((CTOK, HIDDEN), jnp.float32),
        pltpu.VMEM((CTOK, HIDDEN), jnp.float32),
        pltpu.VMEM((CL, 8, 1, 8, BBLK), jnp.float32),
        pltpu.VMEM((CL, 8, 1, 8, BBLK), jnp.float32),
        pltpu.VMEM((SEQ_LEN * HIDDEN,), jnp.float32),
        pltpu.VMEM((HIDDEN,), jnp.float32),
        pltpu.VMEM((HIDDEN,), jnp.float32),
        pltpu.SemaphoreType.DMA,
        pltpu.SemaphoreType.DMA,
        pltpu.SemaphoreType.DMA,
        pltpu.SemaphoreType.DMA,
    ],
)(_emb_body)


@jax.jit
def kernel(tokens, word_table, pos_table, gamma, beta):
    tok_t = tokens.T.astype(jnp.int32)
    out = _emb(tok_t, word_table, pos_table.reshape(-1), gamma, beta)
    z = out.transpose(2, 4, 0, 1, 3)
    return z.reshape(BATCH, SEQ_LEN, HIDDEN)

# --- scband reference (transcript-rebuilt; emitter-appended) ---
"""Pipeline reference for scband-linguistic-stream-76244259438741 (READ-ONLY COPY).

The authoritative reference and input builder live on the scoring server;
editing this copy changes nothing except your own understanding.
"""

import jax, jax.numpy as jnp
import numpy as np

VOCAB = 1000000
HIDDEN = 64
SEQ_LEN = 200
BATCH = 4096
PAD_IDX = 0
LN_EPS = 1e-8


def setup_inputs(seed: int = 0) -> dict:
    key = jax.random.key(seed)
    k1, k2, k3, k4 = jax.random.split(key, 4)
    tokens = jax.random.randint(k1, (BATCH, SEQ_LEN), 0, VOCAB)
    word_table = jax.random.normal(k2, (VOCAB, HIDDEN), dtype=jnp.float32) * 0.02
    # padding_idx=0 row is zero-initialized as in nn.Embedding(padding_idx=0)
    word_table = word_table.at[PAD_IDX].set(0.0)
    pos_table = jax.random.normal(k3, (SEQ_LEN, HIDDEN), dtype=jnp.float32) * 0.02
    gamma = jnp.ones((HIDDEN,), dtype=jnp.float32)
    beta = jnp.zeros((HIDDEN,), dtype=jnp.float32)
    return {"tokens": tokens, "word_table": word_table, "pos_table": pos_table, "gamma": gamma, "beta": beta}


def reference(tokens, word_table, pos_table, gamma, beta):
    # WordAndPositionalEmbedding forward (eval mode: dropout is identity)
    seq_len = tokens.shape[1]
    position_indices = jnp.arange(seq_len, dtype=tokens.dtype)
    word_embeddings = jnp.take(word_table, tokens, axis=0)          # [B, L, H] gather
    position_embeddings = jnp.take(pos_table, position_indices, axis=0)[None, :, :]  # [1, L, H]
    x = word_embeddings + position_embeddings
    # LayerNorm(eps=1e-8), biased variance as in torch
    mean = jnp.mean(x, axis=-1, keepdims=True)
    var = jnp.mean(jnp.square(x - mean), axis=-1, keepdims=True)
    x = (x - mean) / jnp.sqrt(var + LN_EPS)
    x = x * gamma + beta
    # Zero out embeddings at padding positions
    token_mask = (tokens != PAD_IDX)[..., None].astype(x.dtype)
    return x * token_mask

if __name__ == "__main__":
    import jax
    _d = setup_inputs()
    print(jax.jit(kernel)(*tuple(_d.values())))

</pallas_src>

<mosaic_0001>
#map = affine_map<(d0, d1) -> (0, 0)>
#map1 = affine_map<(d0, d1) -> (0)>
#map2 = affine_map<(d0, d1) -> (0, 0, 0, 0, 0)>
module attributes {stable_mosaic.version = 14 : i64} {
  func.func @_emb_body(%arg0: i32, %arg1: i32, %arg2: memref<200x4096xi32, #tpu.memory_space<hbm>>, %arg3: memref<1000000x64xf32, #tpu.memory_space<hbm>>, %arg4: memref<12800xf32, #tpu.memory_space<hbm>>, %arg5: memref<64xf32, #tpu.memory_space<hbm>>, %arg6: memref<64xf32, #tpu.memory_space<hbm>>, %arg7: memref<200x8x32x8x128xf32, #tpu.memory_space<hbm>>, %arg8: memref<200x144xi32, #tpu.memory_space<vmem>>, %arg9: memref<256x64xf32, #tpu.memory_space<vmem>>, %arg10: memref<256x64xf32, #tpu.memory_space<vmem>>, %arg11: memref<2x8x1x8x128xf32, #tpu.memory_space<vmem>>, %arg12: memref<2x8x1x8x128xf32, #tpu.memory_space<vmem>>, %arg13: memref<12800xf32, #tpu.memory_space<vmem>>, %arg14: memref<64xf32, #tpu.memory_space<vmem>>, %arg15: memref<64xf32, #tpu.memory_space<vmem>>, %arg16: memref<!tpu.dma_semaphore, #tpu.memory_space<semaphore_mem>>, %arg17: memref<!tpu.dma_semaphore, #tpu.memory_space<semaphore_mem>>, %arg18: memref<!tpu.dma_semaphore, #tpu.memory_space<semaphore_mem>>, %arg19: memref<!tpu.dma_semaphore, #tpu.memory_space<semaphore_mem>>) attributes {dimension_semantics = [#tpu.dimension_semantics<core_parallel>, #tpu.dimension_semantics<subcore_parallel>], iteration_bounds = array<i64: 2, 16>, scalar_prefetch = 0 : i64, scratch_operands = 12 : i64, tpu.core_type = #tpu.core_type<sc_vector_subcore>, window_params = [{transform_indices = #map}, {transform_indices = #map}, {transform_indices = #map1}, {transform_indices = #map1}, {transform_indices = #map1}, {transform_indices = #map2}]} {
    %mul3A = arith.constant 2 : i32
    %mul3A_0 = arith.muli %arg1, %mul3A : i32
    %add3A = arith.addi %mul3A_0, %arg0 : i32
    %mul3A_1 = arith.constant 128 : i32
    %mul3A_2 = arith.muli %add3A, %mul3A_1 : i32
    "tpu.region"() ({
      %run_scoped3A = tpu.sem_alloc : memref<!tpu.dma_semaphore, #tpu.memory_space<semaphore_mem>>
      tpu.enqueue_dma source(%arg4 : memref<12800xf32, #tpu.memory_space<hbm>>) target(%arg13 : memref<12800xf32, #tpu.memory_space<vmem>>) target_semaphore(%run_scoped3A : memref<!tpu.dma_semaphore, #tpu.memory_space<semaphore_mem>>)
      tpu.wait_dma2 semaphore(%run_scoped3A : memref<!tpu.dma_semaphore, #tpu.memory_space<semaphore_mem>>) src(%arg4 : memref<12800xf32, #tpu.memory_space<hbm>>) dst(%arg13 : memref<12800xf32, #tpu.memory_space<vmem>>)
      tpu.yield
    }) : () -> ()
    "tpu.region"() ({
      %run_scoped3A = tpu.sem_alloc : memref<!tpu.dma_semaphore, #tpu.memory_space<semaphore_mem>>
      %dma_start3A_148 = arith.constant 0 : i32
      %dma_start3A_149 = arith.constant 0 : i32
      %dma_start3A_150 = tpu.memref_slice %arg8[%dma_start3A_148, %dma_start3A_149] : memref<200x144xi32, #tpu.memory_space<vmem>> -> memref<200x128xi32, #tpu.memory_space<vmem>>
      %dma_start3A_151 = arith.constant 0 : i32
      %dma_start3A_152 = tpu.memref_slice %arg2[%dma_start3A_151, %mul3A_2] : memref<200x4096xi32, #tpu.memory_space<hbm>> -> memref<200x128xi32, #tpu.memory_space<hbm>>
      %dma_start3A_153 = arith.constant 0 : i32
      %dma_start3A_154 = arith.constant 0 : i32
      %dma_start3A_155 = tpu.memref_slice %arg8[%dma_start3A_153, %dma_start3A_154] : memref<200x144xi32, #tpu.memory_space<vmem>> -> memref<200x128xi32, #tpu.memory_space<vmem>>
      %dma_start3A_156 = arith.constant 0 : i32
      %dma_start3A_157 = tpu.memref_slice %arg2[%dma_start3A_156, %mul3A_2] : memref<200x4096xi32, #tpu.memory_space<hbm>> -> memref<200x128xi32, #tpu.memory_space<hbm>>
      tpu.enqueue_dma source(%dma_start3A_157 : memref<200x128xi32, #tpu.memory_space<hbm>>) target(%dma_start3A_155 : memref<200x128xi32, #tpu.memory_space<vmem>>) target_semaphore(%run_scoped3A : memref<!tpu.dma_semaphore, #tpu.memory_space<semaphore_mem>>)
      %dma_wait3A_158 = arith.constant 0 : i32
      %dma_wait3A_159 = arith.constant 0 : i32
      %dma_wait3A_160 = tpu.memref_slice %arg8[%dma_wait3A_158, %dma_wait3A_159] : memref<200x144xi32, #tpu.memory_space<vmem>> -> memref<200x128xi32, #tpu.memory_space<vmem>>
      %dma_wait3A_161 = arith.constant 0 : i32
      %dma_wait3A_162 = tpu.memref_slice %arg2[%dma_wait3A_161, %mul3A_2] : memref<200x4096xi32, #tpu.memory_space<hbm>> -> memref<200x128xi32, #tpu.memory_space<hbm>>
      %dma_wait3A_163 = arith.constant 0 : i32
      %dma_wait3A_164 = arith.constant 0 : i32
      %dma_wait3A_165 = tpu.memref_slice %arg8[%dma_wait3A_163, %dma_wait3A_164] : memref<200x144xi32, #tpu.memory_space<vmem>> -> memref<200x128xi32, #tpu.memory_space<vmem>>
      %dma_wait3A_166 = arith.constant 0 : i32
      %dma_wait3A_167 = tpu.memref_slice %arg2[%dma_wait3A_166, %mul3A_2] : memref<200x4096xi32, #tpu.memory_space<hbm>> -> memref<200x128xi32, #tpu.memory_space<hbm>>
      tpu.wait_dma2 semaphore(%run_scoped3A : memref<!tpu.dma_semaphore, #tpu.memory_space<semaphore_mem>>) src(%dma_wait3A_167 : memref<200x128xi32, #tpu.memory_space<hbm>>) dst(%dma_wait3A_165 : memref<200x128xi32, #tpu.memory_space<vmem>>)
      tpu.yield
    }) : () -> ()
    "tpu.region"() ({
      %run_scoped3A = tpu.sem_alloc : memref<!tpu.dma_semaphore, #tpu.memory_space<semaphore_mem>>
      tpu.enqueue_dma source(%arg5 : memref<64xf32, #tpu.memory_space<hbm>>) target(%arg14 : memref<64xf32, #tpu.memory_space<vmem>>) target_semaphore(%run_scoped3A : memref<!tpu.dma_semaphore, #tpu.memory_space<semaphore_mem>>)
      tpu.wait_dma2 semaphore(%run_scoped3A : memref<!tpu.dma_semaphore, #tpu.memory_space<semaphore_mem>>) src(%arg5 : memref<64xf32, #tpu.memory_space<hbm>>) dst(%arg14 : memref<64xf32, #tpu.memory_space<vmem>>)
      tpu.yield
    }) : () -> ()
    "tpu.region"() ({
      %run_scoped3A = tpu.sem_alloc : memref<!tpu.dma_semaphore, #tpu.memory_space<semaphore_mem>>
      tpu.enqueue_dma source(%arg6 : memref<64xf32, #tpu.memory_space<hbm>>) target(%arg15 : memref<64xf32, #tpu.memory_space<vmem>>) target_semaphore(%run_scoped3A : memref<!tpu.dma_semaphore, #tpu.memory_space<semaphore_mem>>)
      tpu.wait_dma2 semaphore(%run_scoped3A : memref<!tpu.dma_semaphore, #tpu.memory_space<semaphore_mem>>) src(%arg6 : memref<64xf32, #tpu.memory_space<hbm>>) dst(%arg15 : memref<64xf32, #tpu.memory_space<vmem>>)
      tpu.yield
    }) : () -> ()
    %get3A = arith.constant 0 : index
    %get3A_3 = tpu.vector_load %arg14[%get3A] {strides = array<i32>} : memref<64xf32, #tpu.memory_space<vmem>>, vector<16xf32>,
    %get3A_4 = arith.constant 16 : index
    %get3A_5 = tpu.vector_load %arg14[%get3A_4] {strides = array<i32>} : memref<64xf32, #tpu.memory_space<vmem>>, vector<16xf32>,
    %get3A_6 = arith.constant 32 : index
    %get3A_7 = tpu.vector_load %arg14[%get3A_6] {strides = array<i32>} : memref<64xf32, #tpu.memory_space<vmem>>, vector<16xf32>,
    %get3A_8 = arith.constant 48 : index
    %get3A_9 = tpu.vector_load %arg14[%get3A_8] {strides = array<i32>} : memref<64xf32, #tpu.memory_space<vmem>>, vector<16xf32>,
    %get3A_10 = arith.constant 0 : index
    %get3A_11 = tpu.vector_load %arg15[%get3A_10] {strides = array<i32>} : memref<64xf32, #tpu.memory_space<vmem>>, vector<16xf32>,
    %get3A_12 = arith.constant 16 : index
    %get3A_13 = tpu.vector_load %arg15[%get3A_12] {strides = array<i32>} : memref<64xf32, #tpu.memory_space<vmem>>, vector<16xf32>,
    %get3A_14 = arith.constant 32 : index
    %get3A_15 = tpu.vector_load %arg15[%get3A_14] {strides = array<i32>} : memref<64xf32, #tpu.memory_space<vmem>>, vector<16xf32>,
    %get3A_16 = arith.constant 48 : index
    %get3A_17 = tpu.vector_load %arg15[%get3A_16] {strides = array<i32>} : memref<64xf32, #tpu.memory_space<vmem>>, vector<16xf32>,
    %iota3A = tpu.iota {dimensions = array<i32: 0>} : vector<16xi32>
    %shift_right_logical3A = arith.constant 3 : i32
    %shift_right_logical3A_18 = vector.broadcast %shift_right_logical3A : i32 to vector<16xi32>
    %shift_right_logical3A_19 = arith.shrui %iota3A, %shift_right_logical3A_18 : vector<16xi32>
    %and3A = arith.constant 7 : i32
    %and3A_20 = vector.broadcast %and3A : i32 to vector<16xi32>
    %and3A_21 = arith.andi %iota3A, %and3A_20 : vector<16xi32>
    %add3A_22 = arith.constant 0 : i32
    %add3A_23 = vector.broadcast %add3A_22 : i32 to vector<16xi32>
    %add3A_24 = arith.addi %shift_right_logical3A_19, %add3A_23 : vector<16xi32>
    %add3A_25 = arith.constant 2 : i32
    %add3A_26 = vector.broadcast %add3A_25 : i32 to vector<16xi32>
    %add3A_27 = arith.addi %shift_right_logical3A_19, %add3A_26 : vector<16xi32>
    %add3A_28 = arith.constant 4 : i32
    %add3A_29 = vector.broadcast %add3A_28 : i32 to vector<16xi32>
    %add3A_30 = arith.addi %shift_right_logical3A_19, %add3A_29 : vector<16xi32>
    %add3A_31 = arith.constant 6 : i32
    %add3A_32 = vector.broadcast %add3A_31 : i32 to vector<16xi32>
    %add3A_33 = arith.addi %shift_right_logical3A_19, %add3A_32 : vector<16xi32>
    %and3A_34 = arith.constant 0 : i32
    %and3A_35 = vector.broadcast %and3A_34 : i32 to vector<16xi32>
    %and3A_36 = arith.andi %iota3A, %and3A_35 : vector<16xi32>
    %add3A_37 = arith.constant 0 : i32
    %add3A_38 = vector.broadcast %add3A_37 : i32 to vector<16xi32>
    %add3A_39 = arith.addi %and3A_36, %add3A_38 : vector<16xi32>
    %add3A_40 = arith.constant 1 : i32
    %add3A_41 = vector.broadcast %add3A_40 : i32 to vector<16xi32>
    %add3A_42 = arith.addi %and3A_36, %add3A_41 : vector<16xi32>
    %add3A_43 = arith.constant 2 : i32
    %add3A_44 = vector.broadcast %add3A_43 : i32 to vector<16xi32>
    %add3A_45 = arith.addi %and3A_36, %add3A_44 : vector<16xi32>
    %add3A_46 = arith.constant 3 : i32
    %add3A_47 = vector.broadcast %add3A_46 : i32 to vector<16xi32>
    %add3A_48 = arith.addi %and3A_36, %add3A_47 : vector<16xi32>
    %add3A_49 = arith.constant 4 : i32
    %add3A_50 = vector.broadcast %add3A_49 : i32 to vector<16xi32>
    %add3A_51 = arith.addi %and3A_36, %add3A_50 : vector<16xi32>
    %add3A_52 = arith.constant 5 : i32
    %add3A_53 = vector.broadcast %add3A_52 : i32 to vector<16xi32>
    %add3A_54 = arith.addi %and3A_36, %add3A_53 : vector<16xi32>
    %add3A_55 = arith.constant 6 : i32
    %add3A_56 = vector.broadcast %add3A_55 : i32 to vector<16xi32>
    %add3A_57 = arith.addi %and3A_36, %add3A_56 : vector<16xi32>
    %add3A_58 = arith.constant 7 : i32
    %add3A_59 = vector.broadcast %add3A_58 : i32 to vector<16xi32>
    %add3A_60 = arith.addi %and3A_36, %add3A_59 : vector<16xi32>
    %add3A_61 = arith.constant 8 : i32
    %add3A_62 = vector.broadcast %add3A_61 : i32 to vector<16xi32>
    %add3A_63 = arith.addi %and3A_36, %add3A_62 : vector<16xi32>
    %add3A_64 = arith.constant 9 : i32
    %add3A_65 = vector.broadcast %add3A_64 : i32 to vector<16xi32>
    %add3A_66 = arith.addi %and3A_36, %add3A_65 : vector<16xi32>
    %add3A_67 = arith.constant 10 : i32
    %add3A_68 = vector.broadcast %add3A_67 : i32 to vector<16xi32>
    %add3A_69 = arith.addi %and3A_36, %add3A_68 : vector<16xi32>
    %add3A_70 = arith.constant 11 : i32
    %add3A_71 = vector.broadcast %add3A_70 : i32 to vector<16xi32>
    %add3A_72 = arith.addi %and3A_36, %add3A_71 : vector<16xi32>
    %add3A_73 = arith.constant 12 : i32
    %add3A_74 = vector.broadcast %add3A_73 : i32 to vector<16xi32>
    %add3A_75 = arith.addi %and3A_36, %add3A_74 : vector<16xi32>
    %add3A_76 = arith.constant 13 : i32
    %add3A_77 = vector.broadcast %add3A_76 : i32 to vector<16xi32>
    %add3A_78 = arith.addi %and3A_36, %add3A_77 : vector<16xi32>
    %add3A_79 = arith.constant 14 : i32
    %add3A_80 = vector.broadcast %add3A_79 : i32 to vector<16xi32>
    %add3A_81 = arith.addi %and3A_36, %add3A_80 : vector<16xi32>
    %add3A_82 = arith.constant 15 : i32
    %add3A_83 = vector.broadcast %add3A_82 : i32 to vector<16xi32>
    %add3A_84 = arith.addi %and3A_36, %add3A_83 : vector<16xi32>
    %dma_start3A = arith.constant 0 : i32
    %dma_start3A_85 = arith.constant 0 : i32
    %dma_start3A_86 = arith.constant 0 : i32
    %dma_start3A_87 = tpu.memref_slice %arg9[%dma_start3A_85, %dma_start3A_86] : memref<256x64xf32, #tpu.memory_space<vmem>> -> memref<128x64xf32, #tpu.memory_space<vmem>>
    %dma_start3A_88 = arith.constant 0 : i32
    %dma_start3A_89 = tpu.memref_slice %arg8[%dma_start3A, %dma_start3A_88] : memref<200x144xi32, #tpu.memory_space<vmem>> -> memref<1x128xi32, #tpu.memory_space<vmem>>
    %dma_start3A_90 = tpu.memref_squeeze %dma_start3A_89 : memref<1x128xi32, #tpu.memory_space<vmem>> -> memref<128xi32, #tpu.memory_space<vmem>>
    %dma_start3A_91 = arith.constant 0 : i32
    %dma_start3A_92 = arith.constant 0 : i32
    %dma_start3A_93 = tpu.memref_slice %arg3[%dma_start3A_91, %dma_start3A_92] : memref<1000000x64xf32, #tpu.memory_space<hbm>> -> memref<1000000x64xf32, #tpu.memory_space<hbm>>
    tpu.enqueue_indirect_dma source(%dma_start3A_93 : memref<1000000x64xf32, #tpu.memory_space<hbm>>) target(%dma_start3A_87 : memref<128x64xf32, #tpu.memory_space<vmem>>) offsets(%dma_start3A_90 : memref<128xi32, #tpu.memory_space<vmem>>) semaphore(%arg16 : memref<!tpu.dma_semaphore, #tpu.memory_space<semaphore_mem>>)
    %dma_start3A_94 = arith.constant 1 : i32
    %dma_start3A_95 = arith.constant 128 : i32
    %dma_start3A_96 = arith.constant 0 : i32
    %dma_start3A_97 = tpu.memref_slice %arg9[%dma_start3A_95, %dma_start3A_96] : memref<256x64xf32, #tpu.memory_space<vmem>> -> memref<128x64xf32, #tpu.memory_space<vmem>>
    %dma_start3A_98 = arith.constant 0 : i32
    %dma_start3A_99 = tpu.memref_slice %arg8[%dma_start3A_94, %dma_start3A_98] : memref<200x144xi32, #tpu.memory_space<vmem>> -> memref<1x128xi32, #tpu.memory_space<vmem>>
    %dma_start3A_100 = tpu.memref_squeeze %dma_start3A_99 : memref<1x128xi32, #tpu.memory_space<vmem>> -> memref<128xi32, #tpu.memory_space<vmem>>
    %dma_start3A_101 = arith.constant 0 : i32
    %dma_start3A_102 = arith.constant 0 : i32
    %dma_start3A_103 = tpu.memref_slice %arg3[%dma_start3A_101, %dma_start3A_102] : memref<1000000x64xf32, #tpu.memory_space<hbm>> -> memref<1000000x64xf32, #tpu.memory_space<hbm>>
    tpu.enqueue_indirect_dma source(%dma_start3A_103 : memref<1000000x64xf32, #tpu.memory_space<hbm>>) target(%dma_start3A_97 : memref<128x64xf32, #tpu.memory_space<vmem>>) offsets(%dma_start3A_100 : memref<128xi32, #tpu.memory_space<vmem>>) semaphore(%arg16 : memref<!tpu.dma_semaphore, #tpu.memory_space<semaphore_mem>>)
    %dma_start3A_104 = arith.constant 2 : i32
    %dma_start3A_105 = arith.constant 0 : i32
    %dma_start3A_106 = arith.constant 0 : i32
    %dma_start3A_107 = tpu.memref_slice %arg10[%dma_start3A_105, %dma_start3A_106] : memref<256x64xf32, #tpu.memory_space<vmem>> -> memref<128x64xf32, #tpu.memory_space<vmem>>
    %dma_start3A_108 = arith.constant 0 : i32
    %dma_start3A_109 = tpu.memref_slice %arg8[%dma_start3A_104, %dma_start3A_108] : memref<200x144xi32, #tpu.memory_space<vmem>> -> memref<1x128xi32, #tpu.memory_space<vmem>>
    %dma_start3A_110 = tpu.memref_squeeze %dma_start3A_109 : memref<1x128xi32, #tpu.memory_space<vmem>> -> memref<128xi32, #tpu.memory_space<vmem>>
    %dma_start3A_111 = arith.constant 0 : i32
    %dma_start3A_112 = arith.constant 0 : i32
    %dma_start3A_113 = tpu.memref_slice %arg3[%dma_start3A_111, %dma_start3A_112] : memref<1000000x64xf32, #tpu.memory_space<hbm>> -> memref<1000000x64xf32, #tpu.memory_space<hbm>>
    tpu.enqueue_indirect_dma source(%dma_start3A_113 : memref<1000000x64xf32, #tpu.memory_space<hbm>>) target(%dma_start3A_107 : memref<128x64xf32, #tpu.memory_space<vmem>>) offsets(%dma_start3A_110 : memref<128xi32, #tpu.memory_space<vmem>>) semaphore(%arg17 : memref<!tpu.dma_semaphore, #tpu.memory_space<semaphore_mem>>)
    %dma_start3A_114 = arith.constant 3 : i32
    %dma_start3A_115 = arith.constant 128 : i32
    %dma_start3A_116 = arith.constant 0 : i32
    %dma_start3A_117 = tpu.memref_slice %arg10[%dma_start3A_115, %dma_start3A_116] : memref<256x64xf32, #tpu.memory_space<vmem>> -> memref<128x64xf32, #tpu.memory_space<vmem>>
    %dma_start3A_118 = arith.constant 0 : i32
    %dma_start3A_119 = tpu.memref_slice %arg8[%dma_start3A_114, %dma_start3A_118] : memref<200x144xi32, #tpu.memory_space<vmem>> -> memref<1x128xi32, #tpu.memory_space<vmem>>
    %dma_start3A_120 = tpu.memref_squeeze %dma_start3A_119 : memref<1x128xi32, #tpu.memory_space<vmem>> -> memref<128xi32, #tpu.memory_space<vmem>>
    %dma_start3A_121 = arith.constant 0 : i32
    %dma_start3A_122 = arith.constant 0 : i32
    %dma_start3A_123 = tpu.memref_slice %arg3[%dma_start3A_121, %dma_start3A_122] : memref<1000000x64xf32, #tpu.memory_space<hbm>> -> memref<1000000x64xf32, #tpu.memory_space<hbm>>
    tpu.enqueue_indirect_dma source(%dma_start3A_123 : memref<1000000x64xf32, #tpu.memory_space<hbm>>) target(%dma_start3A_117 : memref<128x64xf32, #tpu.memory_space<vmem>>) offsets(%dma_start3A_120 : memref<128xi32, #tpu.memory_space<vmem>>) semaphore(%arg17 : memref<!tpu.dma_semaphore, #tpu.memory_space<semaphore_mem>>)
    %scan3A = arith.constant 0 : i32
    %scan3A_124 = arith.constant 0 : i32
    %scan3A_125 = arith.constant 50 : i32
    %scan3A_126 = arith.addi %scan3A_124, %scan3A_125 : i32
    %scan3A_127 = arith.constant 1 : i32
    scf.for %scan3A_148 = %scan3A_124 to %scan3A_126 step %scan3A_127  : i32 {
      %mul3A_149 = arith.constant 2 : i32
      %mul3A_150 = arith.muli %mul3A_149, %scan3A_148 : i32
      %dma_wait3A_151 = arith.constant 0 : i32
      %dma_wait3A_152 = arith.constant 0 : i32
      %dma_wait3A_153 = arith.constant 0 : i32
      %dma_wait3A_154 = tpu.memref_slice %arg9[%dma_wait3A_152, %dma_wait3A_153] : memref<256x64xf32, #tpu.memory_space<vmem>> -> memref<128x64xf32, #tpu.memory_space<vmem>>
      %dma_wait3A_155 = arith.constant 0 : i32
      %dma_wait3A_156 = tpu.memref_slice %arg8[%dma_wait3A_151, %dma_wait3A_155] : memref<200x144xi32, #tpu.memory_space<vmem>> -> memref<1x128xi32, #tpu.memory_space<vmem>>
      %dma_wait3A_157 = tpu.memref_squeeze %dma_wait3A_156 : memref<1x128xi32, #tpu.memory_space<vmem>> -> memref<128xi32, #tpu.memory_space<vmem>>
      %dma_wait3A_158 = arith.constant 0 : i32
      %dma_wait3A_159 = arith.constant 0 : i32
      %dma_wait3A_160 = tpu.memref_slice %arg3[%dma_wait3A_158, %dma_wait3A_159] : memref<1000000x64xf32, #tpu.memory_space<hbm>> -> memref<1000000x64xf32, #tpu.memory_space<hbm>>
      tpu.wait_indirect_dma semaphore(%arg16 : memref<!tpu.dma_semaphore, #tpu.memory_space<semaphore_mem>>) src(%dma_wait3A_160 : memref<1000000x64xf32, #tpu.memory_space<hbm>>) dst(%dma_wait3A_154 : memref<128x64xf32, #tpu.memory_space<vmem>>)
      %dma_wait3A_161 = arith.constant 0 : i32
      %dma_wait3A_162 = arith.constant 128 : i32
      %dma_wait3A_163 = arith.constant 0 : i32
      %dma_wait3A_164 = tpu.memref_slice %arg9[%dma_wait3A_162, %dma_wait3A_163] : memref<256x64xf32, #tpu.memory_space<vmem>> -> memref<128x64xf32, #tpu.memory_space<vmem>>
      %dma_wait3A_165 = arith.constant 0 : i32
      %dma_wait3A_166 = tpu.memref_slice %arg8[%dma_wait3A_161, %dma_wait3A_165] : memref<200x144xi32, #tpu.memory_space<vmem>> -> memref<1x128xi32, #tpu.memory_space<vmem>>
      %dma_wait3A_167 = tpu.memref_squeeze %dma_wait3A_166 : memref<1x128xi32, #tpu.memory_space<vmem>> -> memref<128xi32, #tpu.memory_space<vmem>>
      %dma_wait3A_168 = arith.constant 0 : i32
      %dma_wait3A_169 = arith.constant 0 : i32
      %dma_wait3A_170 = tpu.memref_slice %arg3[%dma_wait3A_168, %dma_wait3A_169] : memref<1000000x64xf32, #tpu.memory_space<hbm>> -> memref<1000000x64xf32, #tpu.memory_space<hbm>>
      tpu.wait_indirect_dma semaphore(%arg16 : memref<!tpu.dma_semaphore, #tpu.memory_space<semaphore_mem>>) src(%dma_wait3A_170 : memref<1000000x64xf32, #tpu.memory_space<hbm>>) dst(%dma_wait3A_164 : memref<128x64xf32, #tpu.memory_space<vmem>>)
      %gt3A = arith.constant 0 : i32
      %gt3A_171 = arith.cmpi sgt, %scan3A_148, %gt3A : i32
      %convert_element_type3A = arith.extui %gt3A_171 : i1 to i32
      %cond3A = arith.constant 0 : i32
      %cond3A_172 = arith.cmpi ne, %convert_element_type3A, %cond3A : i32
      scf.if %cond3A_172 {
        %dma_wait3A_240 = arith.constant 0 : i32
        %dma_wait3A_241 = arith.constant 0 : i32
        %dma_wait3A_242 = arith.constant 0 : i32
        %dma_wait3A_243 = arith.constant 0 : i32
        %dma_wait3A_244 = tpu.memref_slice %arg7[%dma_wait3A_240, %dma_wait3A_241, %add3A, %dma_wait3A_242, %dma_wait3A_243] : memref<200x8x32x8x128xf32, #tpu.memory_space<hbm>> -> memref<2x8x1x8x128xf32, #tpu.memory_space<hbm>>
        %dma_wait3A_245 = arith.constant 0 : i32
        %dma_wait3A_246 = arith.constant 0 : i32
        %dma_wait3A_247 = arith.constant 0 : i32
        %dma_wait3A_248 = arith.constant 0 : i32
        %dma_wait3A_249 = tpu.memref_slice %arg7[%dma_wait3A_245, %dma_wait3A_246, %add3A, %dma_wait3A_247, %dma_wait3A_248] : memref<200x8x32x8x128xf32, #tpu.memory_space<hbm>> -> memref<2x8x1x8x128xf32, #tpu.memory_space<hbm>>
        tpu.wait_dma2 semaphore(%arg18 : memref<!tpu.dma_semaphore, #tpu.memory_space<semaphore_mem>>) src(%arg11 : memref<2x8x1x8x128xf32, #tpu.memory_space<vmem>>) dst(%dma_wait3A_249 : memref<2x8x1x8x128xf32, #tpu.memory_space<hbm>>)
      } else {
      }
      %mul3A_173 = arith.constant 2 : i32
      %mul3A_174 = arith.muli %mul3A_150, %mul3A_173 : i32
      %parallel_loop3A = arith.constant 0 : i32
      %parallel_loop3A_175 = arith.constant 256 : i32
      %parallel_loop3A_176 = arith.constant 1 : i32
      scf.for %parallel_loop3A_240 = %parallel_loop3A to %parallel_loop3A_175 step %parallel_loop3A_176  : i32 {
        %parallel_loop3A_241 = arith.constant 7 : i32
        %parallel_loop3A_242 = arith.shrui %parallel_loop3A_240, %parallel_loop3A_241 : i32
        %parallel_loop3A_243 = arith.constant 127 : i32
        %parallel_loop3A_244 = arith.andi %parallel_loop3A_240, %parallel_loop3A_243 : i32
        %parallel_loop3A_245 = arith.addi %mul3A_174, %parallel_loop3A_242 : i32
        %parallel_loop3A_246 = arith.index_cast %parallel_loop3A_245 : i32 to index
        %parallel_loop3A_247 = arith.index_cast %parallel_loop3A_244 : i32 to index
        %parallel_loop3A_248 = tpu.vector_load %arg8[%parallel_loop3A_246, %parallel_loop3A_247] {strides = array<i32>} : memref<200x144xi32, #tpu.memory_space<vmem>>, vector<16xi32>,
        %parallel_loop3A_249 = vector.extract_strided_slice %parallel_loop3A_248 {offsets = [0], sizes = [1], strides = [1]} : vector<16xi32> to vector<1xi32>
        %parallel_loop3A_250 = vector.extract %parallel_loop3A_249[0] : i32 from vector<1xi32>
        %parallel_loop3A_251 = arith.index_cast %parallel_loop3A_240 : i32 to index
        %parallel_loop3A_252 = arith.constant 0 : index
        %parallel_loop3A_253 = tpu.vector_load %arg9[%parallel_loop3A_251, %parallel_loop3A_252] {strides = array<i32>} : memref<256x64xf32, #tpu.memory_space<vmem>>, vector<16xf32>,
        %parallel_loop3A_254 = arith.constant 64 : i32
        %parallel_loop3A_255 = arith.muli %parallel_loop3A_245, %parallel_loop3A_254 : i32
        %parallel_loop3A_256 = arith.constant 0 : i32
        %parallel_loop3A_257 = arith.addi %parallel_loop3A_255, %parallel_loop3A_256 : i32
        %parallel_loop3A_258 = arith.index_cast %parallel_loop3A_257 : i32 to index
        %parallel_loop3A_259 = tpu.vector_load %arg13[%parallel_loop3A_258] {strides = array<i32>} : memref<12800xf32, #tpu.memory_space<vmem>>, vector<16xf32>,
        %parallel_loop3A_260 = arith.addf %parallel_loop3A_253, %parallel_loop3A_259 : vector<16xf32>
        %parallel_loop3A_261 = arith.index_cast %parallel_loop3A_240 : i32 to index
        %parallel_loop3A_262 = arith.constant 16 : index
        %parallel_loop3A_263 = tpu.vector_load %arg9[%parallel_loop3A_261, %parallel_loop3A_262] {strides = array<i32>} : memref<256x64xf32, #tpu.memory_space<vmem>>, vector<16xf32>,
        %parallel_loop3A_264 = arith.constant 64 : i32
        %parallel_loop3A_265 = arith.muli %parallel_loop3A_245, %parallel_loop3A_264 : i32
        %parallel_loop3A_266 = arith.constant 16 : i32
        %parallel_loop3A_267 = arith.addi %parallel_loop3A_265, %parallel_loop3A_266 : i32
        %parallel_loop3A_268 = arith.index_cast %parallel_loop3A_267 : i32 to index
        %parallel_loop3A_269 = tpu.vector_load %arg13[%parallel_loop3A_268] {strides = array<i32>} : memref<12800xf32, #tpu.memory_space<vmem>>, vector<16xf32>,
        %parallel_loop3A_270 = arith.addf %parallel_loop3A_263, %parallel_loop3A_269 : vector<16xf32>
        %parallel_loop3A_271 = arith.index_cast %parallel_loop3A_240 : i32 to index
        %parallel_loop3A_272 = arith.constant 32 : index
        %parallel_loop3A_273 = tpu.vector_load %arg9[%parallel_loop3A_271, %parallel_loop3A_272] {strides = array<i32>} : memref<256x64xf32, #tpu.memory_space<vmem>>, vector<16xf32>,
        %parallel_loop3A_274 = arith.constant 64 : i32
        %parallel_loop3A_275 = arith.muli %parallel_loop3A_245, %parallel_loop3A_274 : i32
        %parallel_loop3A_276 = arith.constant 32 : i32
        %parallel_loop3A_277 = arith.addi %parallel_loop3A_275, %parallel_loop3A_276 : i32
        %parallel_loop3A_278 = arith.index_cast %parallel_loop3A_277 : i32 to index
        %parallel_loop3A_279 = tpu.vector_load %arg13[%parallel_loop3A_278] {strides = array<i32>} : memref<12800xf32, #tpu.memory_space<vmem>>, vector<16xf32>,
        %parallel_loop3A_280 = arith.addf %parallel_loop3A_273, %parallel_loop3A_279 : vector<16xf32>
        %parallel_loop3A_281 = arith.index_cast %parallel_loop3A_240 : i32 to index
        %parallel_loop3A_282 = arith.constant 48 : index
        %parallel_loop3A_283 = tpu.vector_load %arg9[%parallel_loop3A_281, %parallel_loop3A_282] {strides = array<i32>} : memref<256x64xf32, #tpu.memory_space<vmem>>, vector<16xf32>,
        %parallel_loop3A_284 = arith.constant 64 : i32
        %parallel_loop3A_285 = arith.muli %parallel_loop3A_245, %parallel_loop3A_284 : i32
        %parallel_loop3A_286 = arith.constant 48 : i32
        %parallel_loop3A_287 = arith.addi %parallel_loop3A_285, %parallel_loop3A_286 : i32
        %parallel_loop3A_288 = arith.index_cast %parallel_loop3A_287 : i32 to index
        %parallel_loop3A_289 = tpu.vector_load %arg13[%parallel_loop3A_288] {strides = array<i32>} : memref<12800xf32, #tpu.memory_space<vmem>>, vector<16xf32>,
        %parallel_loop3A_290 = arith.addf %parallel_loop3A_283, %parallel_loop3A_289 : vector<16xf32>
        %parallel_loop3A_291 = arith.addf %parallel_loop3A_260, %parallel_loop3A_270 : vector<16xf32>
        %parallel_loop3A_292 = arith.addf %parallel_loop3A_280, %parallel_loop3A_290 : vector<16xf32>
        %parallel_loop3A_293 = arith.addf %parallel_loop3A_291, %parallel_loop3A_292 : vector<16xf32>
        %parallel_loop3A_294 = arith.mulf %parallel_loop3A_260, %parallel_loop3A_260 : vector<16xf32>
        %parallel_loop3A_295 = arith.mulf %parallel_loop3A_270, %parallel_loop3A_270 : vector<16xf32>
        %parallel_loop3A_296 = arith.addf %parallel_loop3A_294, %parallel_loop3A_295 : vector<16xf32>
        %parallel_loop3A_297 = arith.mulf %parallel_loop3A_280, %parallel_loop3A_280 : vector<16xf32>
        %parallel_loop3A_298 = arith.mulf %parallel_loop3A_290, %parallel_loop3A_290 : vector<16xf32>
        %parallel_loop3A_299 = arith.addf %parallel_loop3A_297, %parallel_loop3A_298 : vector<16xf32>
        %parallel_loop3A_300 = arith.addf %parallel_loop3A_296, %parallel_loop3A_299 : vector<16xf32>
        %parallel_loop3A_301 = arith.constant true
        %parallel_loop3A_302 = vector.broadcast %parallel_loop3A_301 : i1 to vector<16xi1>
        %parallel_loop3A_303 = tpu.scan <sum>, %parallel_loop3A_293 masked %parallel_loop3A_302 : vector<16xf32>, vector<16xi1> -> vector<16xf32>
        %parallel_loop3A_304 = vector.extract %parallel_loop3A_303[15] : f32 from vector<16xf32>
        %parallel_loop3A_305 = arith.constant 1.562500e-02 : f32
        %parallel_loop3A_306 = arith.mulf %parallel_loop3A_304, %parallel_loop3A_305 : f32
        %parallel_loop3A_307 = arith.constant true
        %parallel_loop3A_308 = vector.broadcast %parallel_loop3A_307 : i1 to vector<16xi1>
        %parallel_loop3A_309 = tpu.scan <sum>, %parallel_loop3A_300 masked %parallel_loop3A_308 : vector<16xf32>, vector<16xi1> -> vector<16xf32>
        %parallel_loop3A_310 = vector.extract %parallel_loop3A_309[15] : f32 from vector<16xf32>
        %parallel_loop3A_311 = arith.constant 1.562500e-02 : f32
        %parallel_loop3A_312 = arith.mulf %parallel_loop3A_310, %parallel_loop3A_311 : f32
        %parallel_loop3A_313 = arith.mulf %parallel_loop3A_306, %parallel_loop3A_306 : f32
        %parallel_loop3A_314 = arith.subf %parallel_loop3A_312, %parallel_loop3A_313 : f32
        %parallel_loop3A_315 = arith.constant 9.99999993E-9 : f32
        %parallel_loop3A_316 = arith.addf %parallel_loop3A_314, %parallel_loop3A_315 : f32
        %parallel_loop3A_317 = arith.bitcast %parallel_loop3A_316 : f32 to i32
        %parallel_loop3A_318 = arith.constant 1 : i32
        %parallel_loop3A_319 = arith.shrui %parallel_loop3A_317, %parallel_loop3A_318 : i32
        %parallel_loop3A_320 = arith.constant 1597463007 : i32
        %parallel_loop3A_321 = arith.subi %parallel_loop3A_320, %parallel_loop3A_319 : i32
        %parallel_loop3A_322 = arith.bitcast %parallel_loop3A_321 : i32 to f32
        %parallel_loop3A_323 = arith.constant 5.000000e-01 : f32
        %parallel_loop3A_324 = arith.mulf %parallel_loop3A_323, %parallel_loop3A_316 : f32
        %parallel_loop3A_325 = arith.mulf %parallel_loop3A_324, %parallel_loop3A_322 : f32
        %parallel_loop3A_326 = arith.mulf %parallel_loop3A_325, %parallel_loop3A_322 : f32
        %parallel_loop3A_327 = arith.constant 1.500000e+00 : f32
        %parallel_loop3A_328 = arith.subf %parallel_loop3A_327, %parallel_loop3A_326 : f32
        %parallel_loop3A_329 = arith.mulf %parallel_loop3A_322, %parallel_loop3A_328 : f32
        %parallel_loop3A_330 = arith.constant 5.000000e-01 : f32
        %parallel_loop3A_331 = arith.mulf %parallel_loop3A_330, %parallel_loop3A_316 : f32
        %parallel_loop3A_332 = arith.mulf %parallel_loop3A_331, %parallel_loop3A_329 : f32
        %parallel_loop3A_333 = arith.mulf %parallel_loop3A_332, %parallel_loop3A_329 : f32
        %parallel_loop3A_334 = arith.constant 1.500000e+00 : f32
        %parallel_loop3A_335 = arith.subf %parallel_loop3A_334, %parallel_loop3A_333 : f32
        %parallel_loop3A_336 = arith.mulf %parallel_loop3A_329, %parallel_loop3A_335 : f32
        %parallel_loop3A_337 = arith.constant 5.000000e-01 : f32
        %parallel_loop3A_338 = arith.mulf %parallel_loop3A_337, %parallel_loop3A_316 : f32
        %parallel_loop3A_339 = arith.mulf %parallel_loop3A_338, %parallel_loop3A_336 : f32
        %parallel_loop3A_340 = arith.mulf %parallel_loop3A_339, %parallel_loop3A_336 : f32
        %parallel_loop3A_341 = arith.constant 1.500000e+00 : f32
        %parallel_loop3A_342 = arith.subf %parallel_loop3A_341, %parallel_loop3A_340 : f32
        %parallel_loop3A_343 = arith.mulf %parallel_loop3A_336, %parallel_loop3A_342 : f32
        %parallel_loop3A_344 = arith.constant 0 : i32
        %parallel_loop3A_345 = arith.cmpi ne, %parallel_loop3A_250, %parallel_loop3A_344 : i32
        %parallel_loop3A_346 = arith.constant 1.000000e+00 : f32
        %parallel_loop3A_347 = arith.constant 0.000000e+00 : f32
        %parallel_loop3A_348 = arith.select %parallel_loop3A_345, %parallel_loop3A_346, %parallel_loop3A_347 : f32
        %parallel_loop3A_349 = arith.mulf %parallel_loop3A_343, %parallel_loop3A_348 : f32
        %parallel_loop3A_350 = vector.broadcast %parallel_loop3A_244 : i32 to vector<16xi32>
        %parallel_loop3A_351 = arith.addi %and3A_36, %parallel_loop3A_350 : vector<16xi32>
        %parallel_loop3A_352 = vector.broadcast %parallel_loop3A_242 : i32 to vector<16xi32>
        %parallel_loop3A_353 = arith.addi %and3A_36, %parallel_loop3A_352 : vector<16xi32>
        %parallel_loop3A_354 = vector.broadcast %parallel_loop3A_306 : f32 to vector<16xf32>
        %parallel_loop3A_355 = arith.subf %parallel_loop3A_260, %parallel_loop3A_354 : vector<16xf32>
        %parallel_loop3A_356 = vector.broadcast %parallel_loop3A_349 : f32 to vector<16xf32>
        %parallel_loop3A_357 = arith.mulf %parallel_loop3A_355, %parallel_loop3A_356 : vector<16xf32>
        %parallel_loop3A_358 = arith.mulf %parallel_loop3A_357, %get3A_3 : vector<16xf32>
        %parallel_loop3A_359 = vector.broadcast %parallel_loop3A_348 : f32 to vector<16xf32>
        %parallel_loop3A_360 = arith.mulf %parallel_loop3A_359, %get3A_11 : vector<16xf32>
        %parallel_loop3A_361 = arith.addf %parallel_loop3A_358, %parallel_loop3A_360 : vector<16xf32>
        tpu.vector_store_idx %arg11[%parallel_loop3A_353, %add3A_24, %and3A_36, %and3A_21, %parallel_loop3A_351], %parallel_loop3A_361 : memref<2x8x1x8x128xf32, #tpu.memory_space<vmem>>[vector<16xi32>, vector<16xi32>, vector<16xi32>, vector<16xi32>, vector<16xi32>], vector<16xf32>,
        %parallel_loop3A_362 = vector.broadcast %parallel_loop3A_306 : f32 to vector<16xf32>
        %parallel_loop3A_363 = arith.subf %parallel_loop3A_270, %parallel_loop3A_362 : vector<16xf32>
        %parallel_loop3A_364 = vector.broadcast %parallel_loop3A_349 : f32 to vector<16xf32>
        %parallel_loop3A_365 = arith.mulf %parallel_loop3A_363, %parallel_loop3A_364 : vector<16xf32>
        %parallel_loop3A_366 = arith.mulf %parallel_loop3A_365, %get3A_5 : vector<16xf32>
        %parallel_loop3A_367 = vector.broadcast %parallel_loop3A_348 : f32 to vector<16xf32>
        %parallel_loop3A_368 = arith.mulf %parallel_loop3A_367, %get3A_13 : vector<16xf32>
        %parallel_loop3A_369 = arith.addf %parallel_loop3A_366, %parallel_loop3A_368 : vector<16xf32>
        tpu.vector_store_idx %arg11[%parallel_loop3A_353, %add3A_27, %and3A_36, %and3A_21, %parallel_loop3A_351], %parallel_loop3A_369 : memref<2x8x1x8x128xf32, #tpu.memory_space<vmem>>[vector<16xi32>, vector<16xi32>, vector<16xi32>, vector<16xi32>, vector<16xi32>], vector<16xf32>,
        %parallel_loop3A_370 = vector.broadcast %parallel_loop3A_306 : f32 to vector<16xf32>
        %parallel_loop3A_371 = arith.subf %parallel_loop3A_280, %parallel_loop3A_370 : vector<16xf32>
        %parallel_loop3A_372 = vector.broadcast %parallel_loop3A_349 : f32 to vector<16xf32>
        %parallel_loop3A_373 = arith.mulf %parallel_loop3A_371, %parallel_loop3A_372 : vector<16xf32>
        %parallel_loop3A_374 = arith.mulf %parallel_loop3A_373, %get3A_7 : vector<16xf32>
        %parallel_loop3A_375 = vector.broadcast %parallel_loop3A_348 : f32 to vector<16xf32>
        %parallel_loop3A_376 = arith.mulf %parallel_loop3A_375, %get3A_15 : vector<16xf32>
        %parallel_loop3A_377 = arith.addf %parallel_loop3A_374, %parallel_loop3A_376 : vector<16xf32>
        tpu.vector_store_idx %arg11[%parallel_loop3A_353, %add3A_30, %and3A_36, %and3A_21, %parallel_loop3A_351], %parallel_loop3A_377 : memref<2x8x1x8x128xf32, #tpu.memory_space<vmem>>[vector<16xi32>, vector<16xi32>, vector<16xi32>, vector<16xi32>, vector<16xi32>], vector<16xf32>,
        %parallel_loop3A_378 = vector.broadcast %parallel_loop3A_306 : f32 to vector<16xf32>
        %parallel_loop3A_379 = arith.subf %parallel_loop3A_290, %parallel_loop3A_378 : vector<16xf32>
        %parallel_loop3A_380 = vector.broadcast %parallel_loop3A_349 : f32 to vector<16xf32>
        %parallel_loop3A_381 = arith.mulf %parallel_loop3A_379, %parallel_loop3A_380 : vector<16xf32>
        %parallel_loop3A_382 = arith.mulf %parallel_loop3A_381, %get3A_9 : vector<16xf32>
        %parallel_loop3A_383 = vector.broadcast %parallel_loop3A_348 : f32 to vector<16xf32>
        %parallel_loop3A_384 = arith.mulf %parallel_loop3A_383, %get3A_17 : vector<16xf32>
        %parallel_loop3A_385 = arith.addf %parallel_loop3A_382, %parallel_loop3A_384 : vector<16xf32>
        tpu.vector_store_idx %arg11[%parallel_loop3A_353, %add3A_33, %and3A_36, %and3A_21, %parallel_loop3A_351], %parallel_loop3A_385 : memref<2x8x1x8x128xf32, #tpu.memory_space<vmem>>[vector<16xi32>, vector<16xi32>, vector<16xi32>, vector<16xi32>, vector<16xi32>], vector<16xf32>,
      } {sc.loop_unroll_factor = 4 : i64, sc.parallel_access}
      %mul3A_177 = arith.constant 2 : i32
      %mul3A_178 = arith.muli %mul3A_150, %mul3A_177 : i32
      %dma_start3A_179 = arith.constant 0 : i32
      %dma_start3A_180 = arith.constant 0 : i32
      %dma_start3A_181 = arith.constant 0 : i32
      %dma_start3A_182 = tpu.memref_slice %arg7[%mul3A_178, %dma_start3A_179, %add3A, %dma_start3A_180, %dma_start3A_181] : memref<200x8x32x8x128xf32, #tpu.memory_space<hbm>> -> memref<2x8x1x8x128xf32, #tpu.memory_space<hbm>>
      %dma_start3A_183 = arith.constant 0 : i32
      %dma_start3A_184 = arith.constant 0 : i32
      %dma_start3A_185 = arith.constant 0 : i32
      %dma_start3A_186 = tpu.memref_slice %arg7[%mul3A_178, %dma_start3A_183, %add3A, %dma_start3A_184, %dma_start3A_185] : memref<200x8x32x8x128xf32, #tpu.memory_space<hbm>> -> memref<2x8x1x8x128xf32, #tpu.memory_space<hbm>>
      tpu.enqueue_dma source(%arg11 : memref<2x8x1x8x128xf32, #tpu.memory_space<vmem>>) target(%dma_start3A_186 : memref<2x8x1x8x128xf32, #tpu.memory_space<hbm>>) target_semaphore(%arg18 : memref<!tpu.dma_semaphore, #tpu.memory_space<semaphore_mem>>)
      %lt3A = arith.constant 49 : i32
      %lt3A_187 = arith.cmpi slt, %scan3A_148, %lt3A : i32
      %convert_element_type3A_188 = arith.extui %lt3A_187 : i1 to i32
      %cond3A_189 = arith.constant 0 : i32
      %cond3A_190 = arith.cmpi ne, %convert_element_type3A_188, %cond3A_189 : i32
      scf.if %cond3A_190 {
        %add3A_240 = arith.constant 2 : i32
        %add3A_241 = arith.addi %mul3A_150, %add3A_240 : i32
        %mul3A_242 = arith.constant 2 : i32
        %mul3A_243 = arith.muli %add3A_241, %mul3A_242 : i32
        %add3A_244 = arith.constant 0 : i32
        %add3A_245 = arith.addi %mul3A_243, %add3A_244 : i32
        %dma_start3A_246 = arith.constant 0 : i32
        %dma_start3A_247 = arith.constant 0 : i32
        %dma_start3A_248 = tpu.memref_slice %arg9[%dma_start3A_246, %dma_start3A_247] : memref<256x64xf32, #tpu.memory_space<vmem>> -> memref<128x64xf32, #tpu.memory_space<vmem>>
        %dma_start3A_249 = arith.constant 0 : i32
        %dma_start3A_250 = tpu.memref_slice %arg8[%add3A_245, %dma_start3A_249] : memref<200x144xi32, #tpu.memory_space<vmem>> -> memref<1x128xi32, #tpu.memory_space<vmem>>
        %dma_start3A_251 = tpu.memref_squeeze %dma_start3A_250 : memref<1x128xi32, #tpu.memory_space<vmem>> -> memref<128xi32, #tpu.memory_space<vmem>>
        %dma_start3A_252 = arith.constant 0 : i32
        %dma_start3A_253 = arith.constant 0 : i32
        %dma_start3A_254 = tpu.memref_slice %arg3[%dma_start3A_252, %dma_start3A_253] : memref<1000000x64xf32, #tpu.memory_space<hbm>> -> memref<1000000x64xf32, #tpu.memory_space<hbm>>
        tpu.enqueue_indirect_dma source(%dma_start3A_254 : memref<1000000x64xf32, #tpu.memory_space<hbm>>) target(%dma_start3A_248 : memref<128x64xf32, #tpu.memory_space<vmem>>) offsets(%dma_start3A_251 : memref<128xi32, #tpu.memory_space<vmem>>) semaphore(%arg16 : memref<!tpu.dma_semaphore, #tpu.memory_space<semaphore_mem>>)
        %add3A_255 = arith.constant 1 : i32
        %add3A_256 = arith.addi %mul3A_243, %add3A_255 : i32
        %dma_start3A_257 = arith.constant 128 : i32
        %dma_start3A_258 = arith.constant 0 : i32
        %dma_start3A_259 = tpu.memref_slice %arg9[%dma_start3A_257, %dma_start3A_258] : memref<256x64xf32, #tpu.memory_space<vmem>> -> memref<128x64xf32, #tpu.memory_space<vmem>>
        %dma_start3A_260 = arith.constant 0 : i32
        %dma_start3A_261 = tpu.memref_slice %arg8[%add3A_256, %dma_start3A_260] : memref<200x144xi32, #tpu.memory_space<vmem>> -> memref<1x128xi32, #tpu.memory_space<vmem>>
        %dma_start3A_262 = tpu.memref_squeeze %dma_start3A_261 : memref<1x128xi32, #tpu.memory_space<vmem>> -> memref<128xi32, #tpu.memory_space<vmem>>
        %dma_start3A_263 = arith.constant 0 : i32
        %dma_start3A_264 = arith.constant 0 : i32
        %dma_start3A_265 = tpu.memref_slice %arg3[%dma_start3A_263, %dma_start3A_264] : memref<1000000x64xf32, #tpu.memory_space<hbm>> -> memref<1000000x64xf32, #tpu.memory_space<hbm>>
        tpu.enqueue_indirect_dma source(%dma_start3A_265 : memref<1000000x64xf32, #tpu.memory_space<hbm>>) target(%dma_start3A_259 : memref<128x64xf32, #tpu.memory_space<vmem>>) offsets(%dma_start3A_262 : memref<128xi32, #tpu.memory_space<vmem>>) semaphore(%arg16 : memref<!tpu.dma_semaphore, #tpu.memory_space<semaphore_mem>>)
      } else {
      }
      %dma_wait3A_191 = arith.constant 0 : i32
      %dma_wait3A_192 = arith.constant 0 : i32
      %dma_wait3A_193 = arith.constant 0 : i32
      %dma_wait3A_194 = tpu.memref_slice %arg10[%dma_wait3A_192, %dma_wait3A_193] : memref<256x64xf32, #tpu.memory_space<vmem>> -> memref<128x64xf32, #tpu.memory_space<vmem>>
      %dma_wait3A_195 = arith.constant 0 : i32
      %dma_wait3A_196 = tpu.memref_slice %arg8[%dma_wait3A_191, %dma_wait3A_195] : memref<200x144xi32, #tpu.memory_space<vmem>> -> memref<1x128xi32, #tpu.memory_space<vmem>>
      %dma_wait3A_197 = tpu.memref_squeeze %dma_wait3A_196 : memref<1x128xi32, #tpu.memory_space<vmem>> -> memref<128xi32, #tpu.memory_space<vmem>>
      %dma_wait3A_198 = arith.constant 0 : i32
      %dma_wait3A_199 = arith.constant 0 : i32
      %dma_wait3A_200 = tpu.memref_slice %arg3[%dma_wait3A_198, %dma_wait3A_199] : memref<1000000x64xf32, #tpu.memory_space<hbm>> -> memref<1000000x64xf32, #tpu.memory_space<hbm>>
      tpu.wait_indirect_dma semaphore(%arg17 : memref<!tpu.dma_semaphore, #tpu.memory_space<semaphore_mem>>) src(%dma_wait3A_200 : memref<1000000x64xf32, #tpu.memory_space<hbm>>) dst(%dma_wait3A_194 : memref<128x64xf32, #tpu.memory_space<vmem>>)
      %dma_wait3A_201 = arith.constant 0 : i32
      %dma_wait3A_202 = arith.constant 128 : i32
      %dma_wait3A_203 = arith.constant 0 : i32
      %dma_wait3A_204 = tpu.memref_slice %arg10[%dma_wait3A_202, %dma_wait3A_203] : memref<256x64xf32, #tpu.memory_space<vmem>> -> memref<128x64xf32, #tpu.memory_space<vmem>>
      %dma_wait3A_205 = arith.constant 0 : i32
      %dma_wait3A_206 = tpu.memref_slice %arg8[%dma_wait3A_201, %dma_wait3A_205] : memref<200x144xi32, #tpu.memory_space<vmem>> -> memref<1x128xi32, #tpu.memory_space<vmem>>
      %dma_wait3A_207 = tpu.memref_squeeze %dma_wait3A_206 : memref<1x128xi32, #tpu.memory_space<vmem>> -> memref<128xi32, #tpu.memory_space<vmem>>
      %dma_wait3A_208 = arith.constant 0 : i32
      %dma_wait3A_209 = arith.constant 0 : i32
      %dma_wait3A_210 = tpu.memref_slice %arg3[%dma_wait3A_208, %dma_wait3A_209] : memref<1000000x64xf32, #tpu.memory_space<hbm>> -> memref<1000000x64xf32, #tpu.memory_space<hbm>>
      tpu.wait_indirect_dma semaphore(%arg17 : memref<!tpu.dma_semaphore, #tpu.memory_space<semaphore_mem>>) src(%dma_wait3A_210 : memref<1000000x64xf32, #tpu.memory_space<hbm>>) dst(%dma_wait3A_204 : memref<128x64xf32, #tpu.memory_space<vmem>>)
      %gt3A_211 = arith.constant 0 : i32
      %gt3A_212 = arith.cmpi sgt, %scan3A_148, %gt3A_211 : i32
      %convert_element_type3A_213 = arith.extui %gt3A_212 : i1 to i32
      %cond3A_214 = arith.constant 0 : i32
      %cond3A_215 = arith.cmpi ne, %convert_element_type3A_213, %cond3A_214 : i32
      scf.if %cond3A_215 {
        %dma_wait3A_240 = arith.constant 0 : i32
        %dma_wait3A_241 = arith.constant 0 : i32
        %dma_wait3A_242 = arith.constant 0 : i32
        %dma_wait3A_243 = arith.constant 0 : i32
        %dma_wait3A_244 = tpu.memref_slice %arg7[%dma_wait3A_240, %dma_wait3A_241, %add3A, %dma_wait3A_242, %dma_wait3A_243] : memref<200x8x32x8x128xf32, #tpu.memory_space<hbm>> -> memref<2x8x1x8x128xf32, #tpu.memory_space<hbm>>
        %dma_wait3A_245 = arith.constant 0 : i32
        %dma_wait3A_246 = arith.constant 0 : i32
        %dma_wait3A_247 = arith.constant 0 : i32
        %dma_wait3A_248 = arith.constant 0 : i32
        %dma_wait3A_249 = tpu.memref_slice %arg7[%dma_wait3A_245, %dma_wait3A_246, %add3A, %dma_wait3A_247, %dma_wait3A_248] : memref<200x8x32x8x128xf32, #tpu.memory_space<hbm>> -> memref<2x8x1x8x128xf32, #tpu.memory_space<hbm>>
        tpu.wait_dma2 semaphore(%arg19 : memref<!tpu.dma_semaphore, #tpu.memory_space<semaphore_mem>>) src(%arg12 : memref<2x8x1x8x128xf32, #tpu.memory_space<vmem>>) dst(%dma_wait3A_249 : memref<2x8x1x8x128xf32, #tpu.memory_space<hbm>>)
      } else {
      }
      %add3A_216 = arith.constant 1 : i32
      %add3A_217 = arith.addi %mul3A_150, %add3A_216 : i32
      %mul3A_218 = arith.constant 2 : i32
      %mul3A_219 = arith.muli %add3A_217, %mul3A_218 : i32
      %parallel_loop3A_220 = arith.constant 0 : i32
      %parallel_loop3A_221 = arith.constant 256 : i32
      %parallel_loop3A_222 = arith.constant 1 : i32
      scf.for %parallel_loop3A_240 = %parallel_loop3A_220 to %parallel_loop3A_221 step %parallel_loop3A_222  : i32 {
        %parallel_loop3A_241 = arith.constant 7 : i32
        %parallel_loop3A_242 = arith.shrui %parallel_loop3A_240, %parallel_loop3A_241 : i32
        %parallel_loop3A_243 = arith.constant 127 : i32
        %parallel_loop3A_244 = arith.andi %parallel_loop3A_240, %parallel_loop3A_243 : i32
        %parallel_loop3A_245 = arith.addi %mul3A_219, %parallel_loop3A_242 : i32
        %parallel_loop3A_246 = arith.index_cast %parallel_loop3A_245 : i32 to index
        %parallel_loop3A_247 = arith.index_cast %parallel_loop3A_244 : i32 to index
        %parallel_loop3A_248 = tpu.vector_load %arg8[%parallel_loop3A_246, %parallel_loop3A_247] {strides = array<i32>} : memref<200x144xi32, #tpu.memory_space<vmem>>, vector<16xi32>,
        %parallel_loop3A_249 = vector.extract_strided_slice %parallel_loop3A_248 {offsets = [0], sizes = [1], strides = [1]} : vector<16xi32> to vector<1xi32>
        %parallel_loop3A_250 = vector.extract %parallel_loop3A_249[0] : i32 from vector<1xi32>
        %parallel_loop3A_251 = arith.index_cast %parallel_loop3A_240 : i32 to index
        %parallel_loop3A_252 = arith.constant 0 : index
        %parallel_loop3A_253 = tpu.vector_load %arg10[%parallel_loop3A_251, %parallel_loop3A_252] {strides = array<i32>} : memref<256x64xf32, #tpu.memory_space<vmem>>, vector<16xf32>,
        %parallel_loop3A_254 = arith.constant 64 : i32
        %parallel_loop3A_255 = arith.muli %parallel_loop3A_245, %parallel_loop3A_254 : i32
        %parallel_loop3A_256 = arith.constant 0 : i32
        %parallel_loop3A_257 = arith.addi %parallel_loop3A_255, %parallel_loop3A_256 : i32
        %parallel_loop3A_258 = arith.index_cast %parallel_loop3A_257 : i32 to index
        %parallel_loop3A_259 = tpu.vector_load %arg13[%parallel_loop3A_258] {strides = array<i32>} : memref<12800xf32, #tpu.memory_space<vmem>>, vector<16xf32>,
        %parallel_loop3A_260 = arith.addf %parallel_loop3A_253, %parallel_loop3A_259 : vector<16xf32>
        %parallel_loop3A_261 = arith.index_cast %parallel_loop3A_240 : i32 to index
        %parallel_loop3A_262 = arith.constant 16 : index
        %parallel_loop3A_263 = tpu.vector_load %arg10[%parallel_loop3A_261, %parallel_loop3A_262] {strides = array<i32>} : memref<256x64xf32, #tpu.memory_space<vmem>>, vector<16xf32>,
        %parallel_loop3A_264 = arith.constant 64 : i32
        %parallel_loop3A_265 = arith.muli %parallel_loop3A_245, %parallel_loop3A_264 : i32
        %parallel_loop3A_266 = arith.constant 16 : i32
        %parallel_loop3A_267 = arith.addi %parallel_loop3A_265, %parallel_loop3A_266 : i32
        %parallel_loop3A_268 = arith.index_cast %parallel_loop3A_267 : i32 to index
        %parallel_loop3A_269 = tpu.vector_load %arg13[%parallel_loop3A_268] {strides = array<i32>} : memref<12800xf32, #tpu.memory_space<vmem>>, vector<16xf32>,
        %parallel_loop3A_270 = arith.addf %parallel_loop3A_263, %parallel_loop3A_269 : vector<16xf32>
        %parallel_loop3A_271 = arith.index_cast %parallel_loop3A_240 : i32 to index
        %parallel_loop3A_272 = arith.constant 32 : index
        %parallel_loop3A_273 = tpu.vector_load %arg10[%parallel_loop3A_271, %parallel_loop3A_272] {strides = array<i32>} : memref<256x64xf32, #tpu.memory_space<vmem>>, vector<16xf32>,
        %parallel_loop3A_274 = arith.constant 64 : i32
        %parallel_loop3A_275 = arith.muli %parallel_loop3A_245, %parallel_loop3A_274 : i32
        %parallel_loop3A_276 = arith.constant 32 : i32
        %parallel_loop3A_277 = arith.addi %parallel_loop3A_275, %parallel_loop3A_276 : i32
        %parallel_loop3A_278 = arith.index_cast %parallel_loop3A_277 : i32 to index
        %parallel_loop3A_279 = tpu.vector_load %arg13[%parallel_loop3A_278] {strides = array<i32>} : memref<12800xf32, #tpu.memory_space<vmem>>, vector<16xf32>,
        %parallel_loop3A_280 = arith.addf %parallel_loop3A_273, %parallel_loop3A_279 : vector<16xf32>
        %parallel_loop3A_281 = arith.index_cast %parallel_loop3A_240 : i32 to index
        %parallel_loop3A_282 = arith.constant 48 : index
        %parallel_loop3A_283 = tpu.vector_load %arg10[%parallel_loop3A_281, %parallel_loop3A_282] {strides = array<i32>} : memref<256x64xf32, #tpu.memory_space<vmem>>, vector<16xf32>,
        %parallel_loop3A_284 = arith.constant 64 : i32
        %parallel_loop3A_285 = arith.muli %parallel_loop3A_245, %parallel_loop3A_284 : i32
        %parallel_loop3A_286 = arith.constant 48 : i32
        %parallel_loop3A_287 = arith.addi %parallel_loop3A_285, %parallel_loop3A_286 : i32
        %parallel_loop3A_288 = arith.index_cast %parallel_loop3A_287 : i32 to index
        %parallel_loop3A_289 = tpu.vector_load %arg13[%parallel_loop3A_288] {strides = array<i32>} : memref<12800xf32, #tpu.memory_space<vmem>>, vector<16xf32>,
        %parallel_loop3A_290 = arith.addf %parallel_loop3A_283, %parallel_loop3A_289 : vector<16xf32>
        %parallel_loop3A_291 = arith.addf %parallel_loop3A_260, %parallel_loop3A_270 : vector<16xf32>
        %parallel_loop3A_292 = arith.addf %parallel_loop3A_280, %parallel_loop3A_290 : vector<16xf32>
        %parallel_loop3A_293 = arith.addf %parallel_loop3A_291, %parallel_loop3A_292 : vector<16xf32>
        %parallel_loop3A_294 = arith.mulf %parallel_loop3A_260, %parallel_loop3A_260 : vector<16xf32>
        %parallel_loop3A_295 = arith.mulf %parallel_loop3A_270, %parallel_loop3A_270 : vector<16xf32>
        %parallel_loop3A_296 = arith.addf %parallel_loop3A_294, %parallel_loop3A_295 : vector<16xf32>
        %parallel_loop3A_297 = arith.mulf %parallel_loop3A_280, %parallel_loop3A_280 : vector<16xf32>
        %parallel_loop3A_298 = arith.mulf %parallel_loop3A_290, %parallel_loop3A_290 : vector<16xf32>
        %parallel_loop3A_299 = arith.addf %parallel_loop3A_297, %parallel_loop3A_298 : vector<16xf32>
        %parallel_loop3A_300 = arith.addf %parallel_loop3A_296, %parallel_loop3A_299 : vector<16xf32>
        %parallel_loop3A_301 = arith.constant true
        %parallel_loop3A_302 = vector.broadcast %parallel_loop3A_301 : i1 to vector<16xi1>
        %parallel_loop3A_303 = tpu.scan <sum>, %parallel_loop3A_293 masked %parallel_loop3A_302 : vector<16xf32>, vector<16xi1> -> vector<16xf32>
        %parallel_loop3A_304 = vector.extract %parallel_loop3A_303[15] : f32 from vector<16xf32>
        %parallel_loop3A_305 = arith.constant 1.562500e-02 : f32
        %parallel_loop3A_306 = arith.mulf %parallel_loop3A_304, %parallel_loop3A_305 : f32
        %parallel_loop3A_307 = arith.constant true
        %parallel_loop3A_308 = vector.broadcast %parallel_loop3A_307 : i1 to vector<16xi1>
        %parallel_loop3A_309 = tpu.scan <sum>, %parallel_loop3A_300 masked %parallel_loop3A_308 : vector<16xf32>, vector<16xi1> -> vector<16xf32>
        %parallel_loop3A_310 = vector.extract %parallel_loop3A_309[15] : f32 from vector<16xf32>
        %parallel_loop3A_311 = arith.constant 1.562500e-02 : f32
        %parallel_loop3A_312 = arith.mulf %parallel_loop3A_310, %parallel_loop3A_311 : f32
        %parallel_loop3A_313 = arith.mulf %parallel_loop3A_306, %parallel_loop3A_306 : f32
        %parallel_loop3A_314 = arith.subf %parallel_loop3A_312, %parallel_loop3A_313 : f32
        %parallel_loop3A_315 = arith.constant 9.99999993E-9 : f32
        %parallel_loop3A_316 = arith.addf %parallel_loop3A_314, %parallel_loop3A_315 : f32
        %parallel_loop3A_317 = arith.bitcast %parallel_loop3A_316 : f32 to i32
        %parallel_loop3A_318 = arith.constant 1 : i32
        %parallel_loop3A_319 = arith.shrui %parallel_loop3A_317, %parallel_loop3A_318 : i32
        %parallel_loop3A_320 = arith.constant 1597463007 : i32
        %parallel_loop3A_321 = arith.subi %parallel_loop3A_320, %parallel_loop3A_319 : i32
        %parallel_loop3A_322 = arith.bitcast %parallel_loop3A_321 : i32 to f32
        %parallel_loop3A_323 = arith.constant 5.000000e-01 : f32
        %parallel_loop3A_324 = arith.mulf %parallel_loop3A_323, %parallel_loop3A_316 : f32
        %parallel_loop3A_325 = arith.mulf %parallel_loop3A_324, %parallel_loop3A_322 : f32
        %parallel_loop3A_326 = arith.mulf %parallel_loop3A_325, %parallel_loop3A_322 : f32
        %parallel_loop3A_327 = arith.constant 1.500000e+00 : f32
        %parallel_loop3A_328 = arith.subf %parallel_loop3A_327, %parallel_loop3A_326 : f32
        %parallel_loop3A_329 = arith.mulf %parallel_loop3A_322, %parallel_loop3A_328 : f32
        %parallel_loop3A_330 = arith.constant 5.000000e-01 : f32
        %parallel_loop3A_331 = arith.mulf %parallel_loop3A_330, %parallel_loop3A_316 : f32
        %parallel_loop3A_332 = arith.mulf %parallel_loop3A_331, %parallel_loop3A_329 : f32
        %parallel_loop3A_333 = arith.mulf %parallel_loop3A_332, %parallel_loop3A_329 : f32
        %parallel_loop3A_334 = arith.constant 1.500000e+00 : f32
        %parallel_loop3A_335 = arith.subf %parallel_loop3A_334, %parallel_loop3A_333 : f32
        %parallel_loop3A_336 = arith.mulf %parallel_loop3A_329, %parallel_loop3A_335 : f32
        %parallel_loop3A_337 = arith.constant 5.000000e-01 : f32
        %parallel_loop3A_338 = arith.mulf %parallel_loop3A_337, %parallel_loop3A_316 : f32
        %parallel_loop3A_339 = arith.mulf %parallel_loop3A_338, %parallel_loop3A_336 : f32
        %parallel_loop3A_340 = arith.mulf %parallel_loop3A_339, %parallel_loop3A_336 : f32
        %parallel_loop3A_341 = arith.constant 1.500000e+00 : f32
        %parallel_loop3A_342 = arith.subf %parallel_loop3A_341, %parallel_loop3A_340 : f32
        %parallel_loop3A_343 = arith.mulf %parallel_loop3A_336, %parallel_loop3A_342 : f32
        %parallel_loop3A_344 = arith.constant 0 : i32
        %parallel_loop3A_345 = arith.cmpi ne, %parallel_loop3A_250, %parallel_loop3A_344 : i32
        %parallel_loop3A_346 = arith.constant 1.000000e+00 : f32
        %parallel_loop3A_347 = arith.constant 0.000000e+00 : f32
        %parallel_loop3A_348 = arith.select %parallel_loop3A_345, %parallel_loop3A_346, %parallel_loop3A_347 : f32
        %parallel_loop3A_349 = arith.mulf %parallel_loop3A_343, %parallel_loop3A_348 : f32
        %parallel_loop3A_350 = vector.broadcast %parallel_loop3A_244 : i32 to vector<16xi32>
        %parallel_loop3A_351 = arith.addi %and3A_36, %parallel_loop3A_350 : vector<16xi32>
        %parallel_loop3A_352 = vector.broadcast %parallel_loop3A_242 : i32 to vector<16xi32>
        %parallel_loop3A_353 = arith.addi %and3A_36, %parallel_loop3A_352 : vector<16xi32>
        %parallel_loop3A_354 = vector.broadcast %parallel_loop3A_306 : f32 to vector<16xf32>
        %parallel_loop3A_355 = arith.subf %parallel_loop3A_260, %parallel_loop3A_354 : vector<16xf32>
        %parallel_loop3A_356 = vector.broadcast %parallel_loop3A_349 : f32 to vector<16xf32>
        %parallel_loop3A_357 = arith.mulf %parallel_loop3A_355, %parallel_loop3A_356 : vector<16xf32>
        %parallel_loop3A_358 = arith.mulf %parallel_loop3A_357, %get3A_3 : vector<16xf32>
        %parallel_loop3A_359 = vector.broadcast %parallel_loop3A_348 : f32 to vector<16xf32>
        %parallel_loop3A_360 = arith.mulf %parallel_loop3A_359, %get3A_11 : vector<16xf32>
        %parallel_loop3A_361 = arith.addf %parallel_loop3A_358, %parallel_loop3A_360 : vector<16xf32>
        tpu.vector_store_idx %arg12[%parallel_loop3A_353, %add3A_24, %and3A_36, %and3A_21, %parallel_loop3A_351], %parallel_loop3A_361 : memref<2x8x1x8x128xf32, #tpu.memory_space<vmem>>[vector<16xi32>, vector<16xi32>, vector<16xi32>, vector<16xi32>, vector<16xi32>], vector<16xf32>,
        %parallel_loop3A_362 = vector.broadcast %parallel_loop3A_306 : f32 to vector<16xf32>
        %parallel_loop3A_363 = arith.subf %parallel_loop3A_270, %parallel_loop3A_362 : vector<16xf32>
        %parallel_loop3A_364 = vector.broadcast %parallel_loop3A_349 : f32 to vector<16xf32>
        %parallel_loop3A_365 = arith.mulf %parallel_loop3A_363, %parallel_loop3A_364 : vector<16xf32>
        %parallel_loop3A_366 = arith.mulf %parallel_loop3A_365, %get3A_5 : vector<16xf32>
        %parallel_loop3A_367 = vector.broadcast %parallel_loop3A_348 : f32 to vector<16xf32>
        %parallel_loop3A_368 = arith.mulf %parallel_loop3A_367, %get3A_13 : vector<16xf32>
        %parallel_loop3A_369 = arith.addf %parallel_loop3A_366, %parallel_loop3A_368 : vector<16xf32>
        tpu.vector_store_idx %arg12[%parallel_loop3A_353, %add3A_27, %and3A_36, %and3A_21, %parallel_loop3A_351], %parallel_loop3A_369 : memref<2x8x1x8x128xf32, #tpu.memory_space<vmem>>[vector<16xi32>, vector<16xi32>, vector<16xi32>, vector<16xi32>, vector<16xi32>], vector<16xf32>,
        %parallel_loop3A_370 = vector.broadcast %parallel_loop3A_306 : f32 to vector<16xf32>
        %parallel_loop3A_371 = arith.subf %parallel_loop3A_280, %parallel_loop3A_370 : vector<16xf32>
        %parallel_loop3A_372 = vector.broadcast %parallel_loop3A_349 : f32 to vector<16xf32>
        %parallel_loop3A_373 = arith.mulf %parallel_loop3A_371, %parallel_loop3A_372 : vector<16xf32>
        %parallel_loop3A_374 = arith.mulf %parallel_loop3A_373, %get3A_7 : vector<16xf32>
        %parallel_loop3A_375 = vector.broadcast %parallel_loop3A_348 : f32 to vector<16xf32>
        %parallel_loop3A_376 = arith.mulf %parallel_loop3A_375, %get3A_15 : vector<16xf32>
        %parallel_loop3A_377 = arith.addf %parallel_loop3A_374, %parallel_loop3A_376 : vector<16xf32>
        tpu.vector_store_idx %arg12[%parallel_loop3A_353, %add3A_30, %and3A_36, %and3A_21, %parallel_loop3A_351], %parallel_loop3A_377 : memref<2x8x1x8x128xf32, #tpu.memory_space<vmem>>[vector<16xi32>, vector<16xi32>, vector<16xi32>, vector<16xi32>, vector<16xi32>], vector<16xf32>,
        %parallel_loop3A_378 = vector.broadcast %parallel_loop3A_306 : f32 to vector<16xf32>
        %parallel_loop3A_379 = arith.subf %parallel_loop3A_290, %parallel_loop3A_378 : vector<16xf32>
        %parallel_loop3A_380 = vector.broadcast %parallel_loop3A_349 : f32 to vector<16xf32>
        %parallel_loop3A_381 = arith.mulf %parallel_loop3A_379, %parallel_loop3A_380 : vector<16xf32>
        %parallel_loop3A_382 = arith.mulf %parallel_loop3A_381, %get3A_9 : vector<16xf32>
        %parallel_loop3A_383 = vector.broadcast %parallel_loop3A_348 : f32 to vector<16xf32>
        %parallel_loop3A_384 = arith.mulf %parallel_loop3A_383, %get3A_17 : vector<16xf32>
        %parallel_loop3A_385 = arith.addf %parallel_loop3A_382, %parallel_loop3A_384 : vector<16xf32>
        tpu.vector_store_idx %arg12[%parallel_loop3A_353, %add3A_33, %and3A_36, %and3A_21, %parallel_loop3A_351], %parallel_loop3A_385 : memref<2x8x1x8x128xf32, #tpu.memory_space<vmem>>[vector<16xi32>, vector<16xi32>, vector<16xi32>, vector<16xi32>, vector<16xi32>], vector<16xf32>,
      } {sc.loop_unroll_factor = 4 : i64, sc.parallel_access}
      %add3A_223 = arith.constant 1 : i32
      %add3A_224 = arith.addi %mul3A_150, %add3A_223 : i32
      %mul3A_225 = arith.constant 2 : i32
      %mul3A_226 = arith.muli %add3A_224, %mul3A_225 : i32
      %dma_start3A_227 = arith.constant 0 : i32
      %dma_start3A_228 = arith.constant 0 : i32
      %dma_start3A_229 = arith.constant 0 : i32
      %dma_start3A_230 = tpu.memref_slice %arg7[%mul3A_226, %dma_start3A_227, %add3A, %dma_start3A_228, %dma_start3A_229] : memref<200x8x32x8x128xf32, #tpu.memory_space<hbm>> -> memref<2x8x1x8x128xf32, #tpu.memory_space<hbm>>
      %dma_start3A_231 = arith.constant 0 : i32
      %dma_start3A_232 = arith.constant 0 : i32
      %dma_start3A_233 = arith.constant 0 : i32
      %dma_start3A_234 = tpu.memref_slice %arg7[%mul3A_226, %dma_start3A_231, %add3A, %dma_start3A_232, %dma_start3A_233] : memref<200x8x32x8x128xf32, #tpu.memory_space<hbm>> -> memref<2x8x1x8x128xf32, #tpu.memory_space<hbm>>
      tpu.enqueue_dma source(%arg12 : memref<2x8x1x8x128xf32, #tpu.memory_space<vmem>>) target(%dma_start3A_234 : memref<2x8x1x8x128xf32, #tpu.memory_space<hbm>>) target_semaphore(%arg19 : memref<!tpu.dma_semaphore, #tpu.memory_space<semaphore_mem>>)
      %lt3A_235 = arith.constant 49 : i32
      %lt3A_236 = arith.cmpi slt, %scan3A_148, %lt3A_235 : i32
      %convert_element_type3A_237 = arith.extui %lt3A_236 : i1 to i32
      %cond3A_238 = arith.constant 0 : i32
      %cond3A_239 = arith.cmpi ne, %convert_element_type3A_237, %cond3A_238 : i32
      scf.if %cond3A_239 {
        %add3A_240 = arith.constant 3 : i32
        %add3A_241 = arith.addi %mul3A_150, %add3A_240 : i32
        %mul3A_242 = arith.constant 2 : i32
        %mul3A_243 = arith.muli %add3A_241, %mul3A_242 : i32
        %add3A_244 = arith.constant 0 : i32
        %add3A_245 = arith.addi %mul3A_243, %add3A_244 : i32
        %dma_start3A_246 = arith.constant 0 : i32
        %dma_start3A_247 = arith.constant 0 : i32
        %dma_start3A_248 = tpu.memref_slice %arg10[%dma_start3A_246, %dma_start3A_247] : memref<256x64xf32, #tpu.memory_space<vmem>> -> memref<128x64xf32, #tpu.memory_space<vmem>>
        %dma_start3A_249 = arith.constant 0 : i32
        %dma_start3A_250 = tpu.memref_slice %arg8[%add3A_245, %dma_start3A_249] : memref<200x144xi32, #tpu.memory_space<vmem>> -> memref<1x128xi32, #tpu.memory_space<vmem>>
        %dma_start3A_251 = tpu.memref_squeeze %dma_start3A_250 : memref<1x128xi32, #tpu.memory_space<vmem>> -> memref<128xi32, #tpu.memory_space<vmem>>
        %dma_start3A_252 = arith.constant 0 : i32
        %dma_start3A_253 = arith.constant 0 : i32
        %dma_start3A_254 = tpu.memref_slice %arg3[%dma_start3A_252, %dma_start3A_253] : memref<1000000x64xf32, #tpu.memory_space<hbm>> -> memref<1000000x64xf32, #tpu.memory_space<hbm>>
        tpu.enqueue_indirect_dma source(%dma_start3A_254 : memref<1000000x64xf32, #tpu.memory_space<hbm>>) target(%dma_start3A_248 : memref<128x64xf32, #tpu.memory_space<vmem>>) offsets(%dma_start3A_251 : memref<128xi32, #tpu.memory_space<vmem>>) semaphore(%arg17 : memref<!tpu.dma_semaphore, #tpu.memory_space<semaphore_mem>>)
        %add3A_255 = arith.constant 1 : i32
        %add3A_256 = arith.addi %mul3A_243, %add3A_255 : i32
        %dma_start3A_257 = arith.constant 128 : i32
        %dma_start3A_258 = arith.constant 0 : i32
        %dma_start3A_259 = tpu.memref_slice %arg10[%dma_start3A_257, %dma_start3A_258] : memref<256x64xf32, #tpu.memory_space<vmem>> -> memref<128x64xf32, #tpu.memory_space<vmem>>
        %dma_start3A_260 = arith.constant 0 : i32
        %dma_start3A_261 = tpu.memref_slice %arg8[%add3A_256, %dma_start3A_260] : memref<200x144xi32, #tpu.memory_space<vmem>> -> memref<1x128xi32, #tpu.memory_space<vmem>>
        %dma_start3A_262 = tpu.memref_squeeze %dma_start3A_261 : memref<1x128xi32, #tpu.memory_space<vmem>> -> memref<128xi32, #tpu.memory_space<vmem>>
        %dma_start3A_263 = arith.constant 0 : i32
        %dma_start3A_264 = arith.constant 0 : i32
        %dma_start3A_265 = tpu.memref_slice %arg3[%dma_start3A_263, %dma_start3A_264] : memref<1000000x64xf32, #tpu.memory_space<hbm>> -> memref<1000000x64xf32, #tpu.memory_space<hbm>>
        tpu.enqueue_indirect_dma source(%dma_start3A_265 : memref<1000000x64xf32, #tpu.memory_space<hbm>>) target(%dma_start3A_259 : memref<128x64xf32, #tpu.memory_space<vmem>>) offsets(%dma_start3A_262 : memref<128xi32, #tpu.memory_space<vmem>>) semaphore(%arg17 : memref<!tpu.dma_semaphore, #tpu.memory_space<semaphore_mem>>)
      } else {
      }
    }
    %scan3A_128 = arith.constant 50 : i32
    %dma_wait3A = arith.constant 0 : i32
    %dma_wait3A_129 = arith.constant 0 : i32
    %dma_wait3A_130 = arith.constant 0 : i32
    %dma_wait3A_131 = arith.constant 0 : i32
    %dma_wait3A_132 = tpu.memref_slice %arg7[%dma_wait3A, %dma_wait3A_129, %add3A, %dma_wait3A_130, %dma_wait3A_131] : memref<200x8x32x8x128xf32, #tpu.memory_space<hbm>> -> memref<2x8x1x8x128xf32, #tpu.memory_space<hbm>>
    %dma_wait3A_133 = arith.constant 0 : i32
    %dma_wait3A_134 = arith.constant 0 : i32
    %dma_wait3A_135 = arith.constant 0 : i32
    %dma_wait3A_136 = arith.constant 0 : i32
    %dma_wait3A_137 = tpu.memref_slice %arg7[%dma_wait3A_133, %dma_wait3A_134, %add3A, %dma_wait3A_135, %dma_wait3A_136] : memref<200x8x32x8x128xf32, #tpu.memory_space<hbm>> -> memref<2x8x1x8x128xf32, #tpu.memory_space<hbm>>
    tpu.wait_dma2 semaphore(%arg18 : memref<!tpu.dma_semaphore, #tpu.memory_space<semaphore_mem>>) src(%arg11 : memref<2x8x1x8x128xf32, #tpu.memory_space<vmem>>) dst(%dma_wait3A_137 : memref<2x8x1x8x128xf32, #tpu.memory_space<hbm>>)
    %dma_wait3A_138 = arith.constant 0 : i32
    %dma_wait3A_139 = arith.constant 0 : i32
    %dma_wait3A_140 = arith.constant 0 : i32
    %dma_wait3A_141 = arith.constant 0 : i32
    %dma_wait3A_142 = tpu.memref_slice %arg7[%dma_wait3A_138, %dma_wait3A_139, %add3A, %dma_wait3A_140, %dma_wait3A_141] : memref<200x8x32x8x128xf32, #tpu.memory_space<hbm>> -> memref<2x8x1x8x128xf32, #tpu.memory_space<hbm>>
    %dma_wait3A_143 = arith.constant 0 : i32
    %dma_wait3A_144 = arith.constant 0 : i32
    %dma_wait3A_145 = arith.constant 0 : i32
    %dma_wait3A_146 = arith.constant 0 : i32
    %dma_wait3A_147 = tpu.memref_slice %arg7[%dma_wait3A_143, %dma_wait3A_144, %add3A, %dma_wait3A_145, %dma_wait3A_146] : memref<200x8x32x8x128xf32, #tpu.memory_space<hbm>> -> memref<2x8x1x8x128xf32, #tpu.memory_space<hbm>>
    tpu.wait_dma2 semaphore(%arg19 : memref<!tpu.dma_semaphore, #tpu.memory_space<semaphore_mem>>) src(%arg12 : memref<2x8x1x8x128xf32, #tpu.memory_space<vmem>>) dst(%dma_wait3A_147 : memref<2x8x1x8x128xf32, #tpu.memory_space<hbm>>)
    return
  }
}

</mosaic_0001>

<sc_bundles>
// kernel: kernel.3.cloned.1.call-start
scs
__scs_entry_jumppad:
0x0: {  	(pc) =	sbr.rel $0x88, $3  }
0x1: {  	(tag) =	ssettag $0x0;
	lr =	simm.s32 $0x1  }
0x2: {  	[smem:$0x3F9C] =	sst lr;
	_ =	strace $0xD0000000  }
0x3: {  	_ = 	snop  }
0x4: {  	_ = 	snop  }
0x5: {  	_ = 	snop  }
0x6: {  	_ = 	snop  }
0x7: {  	_ = 	snop  }
__scs_overlays_trampoline_lowered:
0x8: {  	[smem:$0x3FAB] =	sst s0  }
0x9: {  	[smem:$0x3FAC] =	sst s1  }
0xa: {  	[smem:$0x3FAD] =	sst s2  }
0xb: {  	[smem:$0x3FAE] =	sst s3  }
0xc: {  	[smem:$0x3FAF] =	sst s4  }
0xd: {  	[smem:$0x3FB0] =	sst s5  }
0xe: {  	[smem:$0x3FB1] =	sst s6  }
0xf: {  	[smem:$0x3FB2] =	sst s7  }
0x10: {  	[smem:$0x3FB3] =	sst s8  }
0x11: {  	[smem:$0x3FB4] =	sst s9;
	s0 =	simm.s32 @!p0 $0x0  }
0x12: {  	s1 =	sld [smem:$0x3F9A];
	s0 =	simm.s32 @p0 $0x1  }
0x13: {  	[smem:$0x3FB5] =	sst s0;
	s0 =	simm.s32 @!p1 $0x0  }
0x14: {  	s2 =	sld [smem:$0x3F99];
	s0 =	simm.s32 @p1 $0x1  }
0x15: {  	[smem:$0x3FB6] =	sst s0;
	s0 =	simm.s32 @!p2 $0x0  }
0x16: {  	s3 =	sld [smem:$0x3FDB];
	s0 =	simm.s32 @p2 $0x1  }
0x17: {  	s4 =	simm.s32 $0x1BF5;
	[smem:$0x3FB8] =	sst s0  }
0x18: {  	s0 =	sld [smem:$0x3F9B];
	_ =	swait.ge [sflag:s4], $0x0  }
0x19: {  	s7 =	sld [smem:$0x3F9C]  }
0x1a: {  	s8 =	sadd.s32 $0xFFFFE003, lr  }
0x1b: {  	s9 =	sadd.s32 $0xFFFFFEF7, lr;
	s5 =	simm.s32 $0xFFFFFFFF;
	p2 =	slt.u32 s8, $0xFFFFF086  }
0x1c: {  	p1 =	slt.u32 s9, $0xF7A;
	s5 =	simm.s32 @!p2 $0x0  }
0x1d: {  	s5 =	simm.s32 @p1 $0x1;
	p0 =	seq.s32 s7, s2  }
0x1e: {  	s7 =	smul.u32 @!p0 $0xF7A, s2;
	p2 =	seq.s32 @!p0 s5, $0x0  }
0x1f: {  	s9 =	smul.u32 $0xF7A, s1;
	s8 =	simm.s32 @!p0 $0x1BF5;
	p2 =	por !p2, p0  }
0x20: {  	[sflag:s8] =	ssyncset.s32 @!p0 $0xFFFFF086;
	s6 =	sadd.s32 @!p0 s3, s7;
	s7 =	simm.s32 @!p0 $0x108  }
0x21: {  	s3 =	sadd.s32 s3, s9;
	s6 =	sadd.s32 @!p0 $0x88, s6;
	s7 =	simm.s32 @p2 $0x1082  }
0x22: {  	[simem:s7], [sflag:s8] =	dma.local @!p0 [hbm:s6], $0xF7A  }
0x23: {  	s9 =	sor.u32 $0xD0000000, s2;
	s6 =	simm.s32 $0x108;
	_ =	swait.ge @!p0 [sflag:s8], $0x0  }
0x24: {  	s3 =	sadd.s32 $0x88, s3;
	s6 =	simm.s32 @!p1 $0x1082;
	[sflag:s4] =	ssyncset.s32 $0xFFFFF086  }
0x25: {  	[simem:s6], [sflag:s4] =	dma.local [hbm:s3], $0xF7A  }
0x26: {  	[smem:$0x3F9C] =	sst s1;
	(tag) =	ssettag s2;
	_ =	strace s9  }
0x27: {  	s1 =	sld [smem:$0x3FAC]  }
0x28: {  	s2 =	sld [smem:$0x3FAD]  }
0x29: {  	s4 =	sld [smem:$0x3FAF]  }
0x2a: {  	p0 =	seq.s32 s5, $0x0;
	s5 =	sld [smem:$0x3FB0]  }
0x2b: {  	s6 =	sld [smem:$0x3FB1]  }
0x2c: {  	s7 =	sld [smem:$0x3FB2]  }
0x2d: {  	s3 =	simm.s32 $0x108;
	s8 =	sld [smem:$0x3FB3]  }
0x2e: {  	s3 =	simm.s32 @!p0 $0x1082;
	s9 =	sld [smem:$0x3FB4]  }
0x2f: {  	lr =	sadd.s32 s0, s3;
	s0 =	sld [smem:$0x3FAB]  }
0x30: {  	s3 =	sld [smem:$0x3FAE]  }
0x31: {  	[smem:$0x3FB7] =	sst s10  }
0x32: {  	s10 =	sld [smem:$0x3FB5];
	_ =	sdelay $0x3  }
0x33: {  	p0 =	seq.s32 s10, $0x1;
	s10 =	sld [smem:$0x3FB7];
	_ =	sdelay $0x3  }
0x34: {  	[smem:$0x3FB7] =	sst s10  }
0x35: {  	s10 =	sld [smem:$0x3FB6];
	_ =	sdelay $0x3  }
0x36: {  	p1 =	seq.s32 s10, $0x1;
	s10 =	sld [smem:$0x3FB7];
	_ =	sdelay $0x3  }
0x37: {  	[smem:$0x3FB7] =	sst s10  }
0x38: {  	s10 =	sld [smem:$0x3FB8]  }
0x39: {  	_ = 	snop;
	(pc) =	sbr.ind lr, $3  }
0x3a: {  	_ = 	snop  }
0x3b: {  	_ = 	snop  }
0x3c: {  	p2 =	seq.s32 s10, $0x1;
	s10 =	sld [smem:$0x3FB7]  }
0x3d: {  	_ =	shalt  }
0x3e: {  	_ =	shalt  }
0x3f: {  	_ =	shalt  }
0x40: {  	_ =	shalt  }
0x41: {  	_ =	shalt  }
0x42: {  	_ =	shalt  }
0x43: {  	_ =	shalt  }
0x44: {  	_ =	shalt  }
0x45: {  	_ =	shalt  }
0x46: {  	_ =	shalt  }
0x47: {  	_ =	shalt  }
0x48: {  	_ =	shalt  }
0x49: {  	_ =	shalt  }
0x4a: {  	_ =	shalt  }
0x4b: {  	_ =	shalt  }
0x4c: {  	_ =	shalt  }
0x4d: {  	_ =	shalt  }
0x4e: {  	_ =	shalt  }
0x4f: {  	_ =	shalt  }
0x50: {  	_ =	shalt  }
0x51: {  	_ =	shalt  }
0x52: {  	_ =	shalt  }
0x53: {  	_ =	shalt  }
0x54: {  	_ =	shalt  }
0x55: {  	_ =	shalt  }
0x56: {  	_ =	shalt  }
0x57: {  	_ =	shalt  }
0x58: {  	_ =	shalt  }
0x59: {  	_ =	shalt  }
0x5a: {  	_ =	shalt  }
0x5b: {  	_ =	shalt  }
0x5c: {  	_ =	shalt  }
0x5d: {  	_ =	shalt  }
0x5e: {  	_ =	shalt  }
0x5f: {  	_ =	shalt  }
0x60: {  	_ =	shalt  }
0x61: {  	_ =	shalt  }
0x62: {  	_ =	shalt  }
0x63: {  	_ =	shalt  }
0x64: {  	_ =	shalt  }
0x65: {  	_ =	shalt  }
0x66: {  	_ =	shalt  }
0x67: {  	_ =	shalt  }
0x68: {  	_ =	shalt  }
0x69: {  	_ =	shalt  }
0x6a: {  	_ =	shalt  }
0x6b: {  	_ =	shalt  }
0x6c: {  	_ =	shalt  }
0x6d: {  	_ =	shalt  }
0x6e: {  	_ =	shalt  }
0x6f: {  	_ =	shalt  }
0x70: {  	_ =	shalt  }
0x71: {  	_ =	shalt  }
0x72: {  	_ =	shalt  }
0x73: {  	_ =	shalt  }
0x74: {  	_ =	shalt  }
0x75: {  	_ =	shalt  }
0x76: {  	_ =	shalt  }
0x77: {  	_ =	shalt  }
0x78: {  	_ =	shalt  }
0x79: {  	_ =	shalt  }
0x7a: {  	_ =	shalt  }
0x7b: {  	_ =	shalt  }
0x7c: {  	_ =	shalt  }
0x7d: {  	_ =	shalt  }
0x7e: {  	_ =	shalt  }
0x7f: {  	_ =	shalt  }
0x80: {  	_ =	shalt  }
0x81: {  	_ =	shalt  }
0x82: {  	_ =	shalt  }
0x83: {  	_ =	shalt  }
0x84: {  	_ =	shalt  }
0x85: {  	_ =	shalt  }
0x86: {  	_ =	shalt  }
0x87: {  	_ =	shalt  }
.Lfunc_end0:
.L_simem_size_0:
called_computation_lowered:
.L_overlay_start_0:
0x88: {  	s2 =	sld [smem:$0x3FD9]  }
0x89: {  	s3 =	sld [smem:$0x3FFE];
	_ =	sdelay $0x1  }
0x8a: {  	s1 =	srdreg.scid  }
0x8b: {  	s0 =	sand.u32 $0x1, s1  }
0x8c: {  	s17 =	sshll.u32 s0, $0xA;
	s2 =	sadd.s32 s3, s2  }
0x8d: {  	s2 =	sadd.s32 s2, s17  }
0x8e: {  	[smem:$0x3FC3] =	sst s2  }
0x8f: {  	_ = 	snop  }
0x90: {  	s2 =	sld [smem:$0x3FC6]  }
0x91: {  	s18 =	sld [smem:$0x3FC5]  }
0x92: {  	s4 =	sld [smem:$0x3FD0];
	(tm) =	ssettm $0x1  }
0x93: {  	s5 =	sld [smem:$0x3FFB];
	_ =	sdelay $0x3  }
0x94: {  	_ =	strace s5  }
0x95: {  	s5 =	sld [smem:$0x3FFC];
	_ =	sdelay $0x3  }
0x96: {  	_ =	strace s5  }
0x97: {  	s5 =	sld [smem:$0x3FFD];
	_ =	sdelay $0x3  }
0x98: {  	_ =	strace s5  }
0x99: {  	_ =	strace $0x8FFFFFFF  }
0x9a: {  	s19 =	sld [smem:$0x3FDB];
	_ =	sdelay $0x1  }
0x9b: {  	s6 =	simm.s32 $_scs_section_size  }
0x9c: {  	s7 =	simm.s32 $_size__tile_overlayer_lowered;
	s8 =	simm.s32 $_tile_overlayer_lowered  }
0x9d: {  	s22 =	simm.s32 $0x1BFF;
	s21 =	sshll.u32 s8, $0x1;
	s5 =	sadd.s32 s6, s19  }
0x9e: {  	s9 =	simm.s32 $0x0;
	s20 =	sshll.u32 s7, $0x1;
	s7 =	sadd.s32 s21, s5  }
0x9f: {  	[timem:s9], [sflag:s22] =	dma.local [hbm:s7], s20  }
0xa0: {  	_ =	swait.ge [sflag:s22], s20  }
0xa1: {  	s6 =	ssub.s32 $0x0, s20;
	[sflag:s22] =	ssyncset.done $0x0  }
0xa2: {  	[sflag:s22] =	ssyncadd.s32 s6;
	_ =	sdelay $0x1  }
0xa3: {  	s23 =	simm.s32 $0x1B8B  }
0xa4: {  	_ =	swait.ge [sflag:s23], $0x1  }
0xa5: {  	[sflag:s23] =	ssyncset.done $0x0  }
0xa6: {  	s25 =	simm.s32 $0x1B8E;
	s24 =	sld [smem:$0x3FFE];
	[sflag:s23] =	ssyncadd.s32 $0xFFFFFFFF  }
0xa7: {  	s26 =	simm.s32 $execute0_lowered;
	[smem:$0x3FD2] =	sst s25  }
0xa8: {  	s7 =	sshll.u32 s26, $0x1;
	_ =	strace $0x80000046;
	[dreg:$0x1] =	wrdreg $0xFFFFFFFF  }
0xa9: {  	s28 =	simm.s32 $_size_execute0_lowered;
	s5 =	sadd.s32 s5, s7;
	[dreg:$0x0] =	wrdreg $0x0  }
0xaa: {  	s7 =	sshll.u32 s28, $0x1;
	[dreg:$0x2] =	wrdreg s5  }
0xab: {  	[dreg:$0x3] =	wrdreg s7  }
0xac: {  	[dreg:$0x4] =	wrdreg $0xC0  }
0xad: {  	_ =	task [dreg:s9], $0x5FFFF  }
0xae: {  	[dreg:$0x1] =	wrdreg $0xFFFFFFFF  }
0xaf: {  	[dreg:$0x0] =	wrdreg $0x60  }
0xb0: {  	[dreg:$0x2] =	wrdreg s24  }
0xb1: {  	[dreg:$0x3] =	wrdreg s2  }
0xb2: {  	[dreg:$0x4] =	wrdreg s18  }
0xb3: {  	[dreg:$0x5] =	wrdreg s4  }
0xb4: {  	[dreg:$0x6] =	wrdreg $0x9  }
0xb5: {  	_ =	task.clear_ibuf [dreg:s9], $0x7FFFF;
	_ =	strace $0x90000046  }
0xb6: {  	s29 =	simm.s32 $0x9;
	_ =	strace $0x80000048  }
0xb7: {  	_ =	swait.ge [sflag:s29], $0x1  }
0xb8: {  	[sflag:s29] =	ssyncadd.s32 $0xFFFFFFFF  }
0xb9: {  	_ =	strace $0x90000048  }
0xba: {  	_ =	sfence  }
0xbb: {  	s30 =	sld [smem:$0x0];
	_ =	sdelay $0x2  }
0xbc: {  	s31 =	sshll.u32 s1, $0xD;
	s1 =	sshrl.u32 s1, $0x2  }
0xbd: {  	s3 =	sand.u32 $0x4000, s31;
	s1 =	sadd.s32 s1, s30  }
0xbe: {  	s0 =	sor.u32 s3, s0;
	s1 =	sshll.u32 s1, $0x11  }
0xbf: {  	s0 =	sor.u32 s1, s0  }
0xc0: {  	s0 =	sadd.s32 $0x8F2B, s0  }
0xc1: {  	[sflag:s0] =	ssyncadd.remote.s32 $0x1  }
0xc2: {  	_ =	sfence.sel $0xFFFF  }
0xc3: {  	[dreg:$0x0] =	wrdreg $0xFFFFFFFF;
	(pc) =	sbr.abs _section_cstart, $3  }
0xc4: {  	[dreg:$0x1] =	wrdreg $0xFFFFFFFF  }
0xc5: {  	_ =	task.clear_ibuf [dreg:s9], $0x2FFFF;
	_ =	strace $0x9FFFFFFF  }
0xc6: {  	(tm) =	ssettm $0x7FFFFFFF  }
0xc7: {  	_ =	shalt  }
tec
execute0_lowered:
.L_overlay_start_1:
0x0: {  	(tag) =	ssettag $0x1  }
0x1: {  	s0 =	rddreg [dreg:$0x0];
	s1 =	srdreg.scid  }
0x2: {  	s2 =	stileid.u32;
	s5 =	simm.s32 $0x0;
	s23 =	simm.s32 $0x1  }
0x3: {  	s24 =	simm.s32 $0xF080;
	s28 =	simm.s32 $0x2;
	s29 =	simm.s32 $0x13080  }
0x4: {  	s1 =	sand.u32 $0x1, s1;
	s2 =	sshll.u32 s2, $0x1;
	[smem:$0x7FF] =	sst s5  }
0x5: {  	s6 =	sadd.s32 $0xF42C00, s0;
	s2 =	sor.u32 s1, s2;
	s1 =	ssub.s32 $0x2, s1  }
.Ltmp0:
0x6: {  	_ =	strace $0x80000047;
	s3 =	sshll.u32 s2, $0x4;
	(pc) =	sbr.rel .LBB2_1-.Ltmp0, $4  }
0x7: {  	v0 =	vlaneseq.u32;
	s7 =	sshrl.u32 s1, $0x1;
	s3 =	sadd.s32 s3, s0;
	s0 =	sadd.s32 $0x19800, s0  }
0x8: {  	v0 =	vmul.u32 $0x80, v0;
	s30 =	ssub.s32 s1, s7;
	[dreg:$0x5] =	wrdreg s0;
	s31 =	sadd.s32 $0x800, s3  }
0x9: {  	s9 =	sshll.u32 s2, $0xA;
	s0 =	smax.u32 s30, $0x1;
	[dreg:$0x6] =	wrdreg s31  }
0xa: {  	s2 =	simm.s32 $0x5;
	v1 =	vor.u32 $0x800, v0;
	v2 =	vor.u32 $0x1000, v0;
	v3 =	vor.u32 $0x1800, v0;
	s3 =	simm.s32 $0x0;
	[dreg:$0x7] =	wrdreg s0  }
.LBB2_10:
0xb: {  	s0 =	simm.s32 $0x3  }
0xc: {  	_ =	swait.ge [sflag:s0], $0x4000  }
0xd: {  	[sflag:s0] =	ssyncset.done $0x0  }
0xe: {  	s1 =	simm.s32 $0x4;
	[sflag:s0] =	ssyncadd.s32 $0xFFFFC000  }
0xf: {  	_ =	swait.ge [sflag:s1], $0x4000  }
0x10: {  	s3 =	rddreg [dreg:$0x8]  }
0x11: {  	s31 =	rddreg [dreg:$0x7];
	s3 =	sadd.s32 $0x1, s3  }
0x12: {  	p0 =	sne.s32 s3, s31  }
.Ltmp1:
0x13: {  	_ = 	snop;
	(pc) =	sbr.rel @!p0 .LBB2_11-.Ltmp1, $3  }
0x14: {  	_ =	sdelay $0x1  }
0x15: {  	[sflag:s1] =	ssyncset.done $0x0  }
0x16: {  	s2 =	simm.s32 $0x5;
	[sflag:s1] =	ssyncadd.s32 $0xFFFFC000  }
.LBB2_1:
0x17: {  	[dreg:$0x8] =	wrdreg s3  }
0x18: {  	s0 =	rddreg [dreg:$0x5];
	s1 =	simm.s32 $0x17080  }
0x19: {  	[tilespmem:s1], [sflag:$0x5] =	stream.linear.gather [hbm4b:s0+s5], $0x3200, $0x38;
	[tilespmem:$0x1A300] =	vst v63  }
0x1a: {  	_ =	swait.ge [sflag:s2], $0x3200  }
0x1b: {  	s7 =	simm.s32 $0x0;
	[sflag:s2] =	ssyncset.done $0x0;
	s3 =	rddreg [dreg:$0x6]  }
0x1c: {  	s0 =	simm.s32 $0x240;
	[sflag:s2] =	ssyncadd.s32 $0xFFFFCE00;
	s1 =	sadd.s32 $0x200, s3  }
.LBB2_2:
0x1d: {  	[tilespmem:s7], [sflag:$0x5] =	stream.linear.gather [hbm4b:s3+s5], $0x80, $0x38;
	[tilespmem:$0x1A300] =	vst v63  }
0x1e: {  	s7 =	smov.u32 s0;
	s3 =	smov.u32 s1;
	p0 =	sne.s32 s0, $0x1BFC0  }
.Ltmp2:
0x1f: {  	s0 =	sadd.s32 $0x240, s0;
	(pc) =	sbr.rel @p0 .LBB2_2-.Ltmp2, $2  }
0x20: {  	_ =	sdelay $0x2  }
0x21: {  	s1 =	sadd.s32 $0x200, s1;
	s7 =	sshra.s32 s7, $0x2  }
0x22: {  	[tilespmem:s7], [sflag:$0x5] =	stream.linear.gather [hbm4b:s3+s5], $0x80, $0x38;
	[tilespmem:$0x1A300] =	vst v63  }
0x23: {  	_ =	swait.ge [sflag:s2], $0x6400  }
0x24: {  	[sflag:s2] =	ssyncset.done $0x0  }
0x25: {  	[sflag:s2] =	ssyncadd.s32 $0xFFFF9C00  }
0x26: {  	s0 =	simm.s32 $0x0;
	s16 =	simm.s32 $0x1A280;
	s1 =	rddreg [dreg:$0x1]  }
0x27: {  	[tilespmem:s16], [sflag:$0x5] =	stream.linear.gather [hbm4b:s1+s0], $0x40, $0x38;
	[tilespmem:$0x1A300] =	vst v63  }
0x28: {  	_ =	swait.ge [sflag:s2], $0x40  }
0x29: {  	[sflag:s2] =	ssyncset.done $0x0  }
0x2a: {  	[sflag:s2] =	ssyncadd.s32 $0xFFFFFFC0  }
0x2b: {  	s18 =	simm.s32 $0x1A2C0;
	s17 =	rddreg [dreg:$0x2]  }
0x2c: {  	[tilespmem:s18], [sflag:$0x5] =	stream.linear.gather [hbm4b:s17+s0], $0x40, $0x38;
	[tilespmem:$0x1A300] =	vst v63  }
0x2d: {  	_ =	swait.ge [sflag:s2], $0x40  }
0x2e: {  	[sflag:s2] =	ssyncset.done $0x0  }
0x2f: {  	[sflag:s2] =	ssyncadd.s32 $0xFFFFFFC0  }
0x30: {  	v4 =	vld [tilespmem:$0x1A280]  }
0x31: {  	v5 =	vld [tilespmem:$0x1A290]  }
0x32: {  	v6 =	vld [tilespmem:$0x1A2A0]  }
0x33: {  	v7 =	vld [tilespmem:$0x1A2B0]  }
0x34: {  	v8 =	vld [tilespmem:$0x1A2C0]  }
0x35: {  	v9 =	vld [tilespmem:$0x1A2D0]  }
0x36: {  	s19 =	simm.s32 $0x80;
	s20 =	simm.s32 $0x7080;
	v10 =	vld [tilespmem:$0x1A2E0]  }
0x37: {  	v11 =	vld [tilespmem:$0x1A2F0];
	[tilespmem:s20], [sflag:$0x1] =	stream.indirect.gather [hbm4b:s6+s19], $0x40, s0, s19, $0xb8  }
0x38: {  	s21 =	simm.s32 $0x90;
	s22 =	simm.s32 $0x9080  }
0x39: {  	[tilespmem:s22], [sflag:$0x1] =	stream.indirect.gather [hbm4b:s6+s19], $0x40, s21, s19, $0xb8;
	[tilespmem:$0x1A300] =	vst v63  }
0x3a: {  	s25 =	simm.s32 $0x120;
	s26 =	simm.s32 $0xB080  }
0x3b: {  	[tilespmem:s26], [sflag:$0x2] =	stream.indirect.gather [hbm4b:s6+s19], $0x40, s25, s19, $0xb8;
	[tilespmem:$0x1A300] =	vst v63  }
0x3c: {  	s30 =	simm.s32 $0x1B0;
	s31 =	simm.s32 $0xD080  }
0x3d: {  	[tilespmem:s31], [sflag:$0x2] =	stream.indirect.gather [hbm4b:s6+s19], $0x40, s30, s19, $0xb8;
	[tilespmem:$0x1A300] =	vst v63  }
.LBB2_4:
0x3e: {  	_ =	swait.ge [sflag:s23], $0x2000  }
0x3f: {  	[sflag:s23] =	ssyncset.done $0x0  }
0x40: {  	[sflag:s23] =	ssyncadd.s32 $0xFFFFE000  }
0x41: {  	_ =	swait.ge [sflag:s23], $0x2000  }
0x42: {  	p0 =	seq.s32 s0, $0x0;
	[sflag:s23] =	ssyncset.done $0x0  }
0x43: {  	s1 =	simm.s32 @!p0 $0x3;
	[sflag:s23] =	ssyncadd.s32 $0xFFFFE000  }
0x44: {  	_ =	swait.ge @!p0 [sflag:s1], $0x4000  }
0x45: {  	s17 =	simm.s32 $0xFFFFFFFC;
	[sflag:s1] =	ssyncset.done @!p0 $0x0  }
0x46: {  	s3 =	simm.s32 $0x7100;
	[sflag:s1] =	ssyncadd.s32 @!p0 $0xFFFFC000;
	s1 =	sshll.u32 s0, $0x2  }
.LBB2_5:
0x47: {  	s11 =	sadd.s32 $0x4, s17  }
0x48: {  	v12 =	vld [tilespmem:s3+$0xFFFFFF80];
	s13 =	sshrl.u32 s11, $0x7  }
0x49: {  	v13 =	vld [tilespmem:s3+$0xFFFFFF90];
	s7 =	sor.u32 s1, s13  }
0x4a: {  	v15 =	vld [tilespmem:s3+$0xFFFFFFA0];
	s8 =	sshll.u32 s7, $0x6  }
0x4b: {  	v17 =	vld [tilespmem:s3+$0xFFFFFFB0];
	s8 =	sand.u32 $0x3FFFFFC0, s8  }
0x4c: {  	v14 =	vld [tilespmem:s8+$0x17080]  }
0x4d: {  	v16 =	vld [tilespmem:s8+$0x17090]  }
0x4e: {  	v28 =	vld [tilespmem:s8+$0x170A0]  }
0x4f: {  	v29 =	vld [tilespmem:s8+$0x170B0];
	_ =	sdelay $0x3  }
0x50: {  	v22 =	vadd.f32 v14, v12;
	v23 =	vadd.f32 v16, v13  }
0x51: {  	v20 =	vadd.f32 v28, v15;
	v21 =	vadd.f32 v29, v17  }
0x52: {  	v12 =	vmul.f32 v22, v22;
	v13 =	vmul.f32 v23, v23  }
0x53: {  	v15 =	vmul.f32 v20, v20;
	v17 =	vmul.f32 v21, v21  }
0x54: {  	v18 =	vadd.f32 v23, v22;
	v19 =	vadd.f32 v21, v20  }
0x55: {  	v12 =	vadd.f32 v13, v12;
	v41 =	vadd.f32 v17, v15  }
0x56: {  	v42 =	vadd.f32 v19, v18  }
0x57: {  	v12 =	vadd.f32 v41, v12  }
0x58: {  	s7 =	smul.u32 $0x240, s7;
	(xrf2) =	vadd.scan.msk.f32 $0xffff, v42  }
0x59: {  	v44 =	vld [tilespmem:s3+$0xFFFFFFC0];
	(xrf2) =	vadd.scan.msk.f32 $0xffff, v12  }
0x5a: {  	v45 =	vld [tilespmem:s3+$0xFFFFFFD0];
	s31 =	sand.u32 $0x78, s11;
	s7 =	sshra.s32 s7, $0x2  }
0x5b: {  	v46 =	vld [tilespmem:s3+$0xFFFFFFE0];
	s10 =	sand.u32 $0x4, s11;
	s18 =	sadd.s32 s31, s7  }
0x5c: {  	v47 =	vld [tilespmem:s3+$0xFFFFFFF0];
	s7 =	sor.u32 s10, s18  }
0x5d: {  	v43 =	vld [tilespmem:s7+$0x0];
	_ =	sdelay $0x2  }
0x5e: {  	v27 =	vadd.f32 v44, v14  }
0x5f: {  	v25 =	vadd.f32 v45, v16;
	v26 =	vadd.f32 v46, v28  }
0x60: {  	v24 =	vadd.f32 v47, v29;
	(v2sf) =	vpush v43, $0x0;
	v48, _, _ =	vpop (xrf2)  }
0x61: {  	v50 =	vmul.f32 v27, v27;
	v51 =	vmul.f32 v26, v26;
	(v2sf) =	vpush v48, $0xF;
	v49, _, _ =	vpop (xrf2)  }
0x62: {  	v52 =	vmul.f32 v24, v24;
	v15 =	vmul.f32 v25, v25;
	(v2sf) =	vpush v49, $0xF  }
0x63: {  	v53 =	vadd.f32 v25, v27;
	v54 =	vadd.f32 v24, v26  }
0x64: {  	v13 =	vadd.f32 v15, v50;
	v12 =	vadd.f32 v52, v51  }
0x65: {  	v56 =	vld [tilespmem:s3+$0x0];
	v55 =	vadd.f32 v54, v53  }
0x66: {  	v57 =	vld [tilespmem:s3+$0x10];
	v12 =	vadd.f32 v12, v13  }
0x67: {  	v58 =	vld [tilespmem:s3+$0x20];
	(xrf2) =	vadd.scan.msk.f32 $0xffff, v55  }
0x68: {  	v59 =	vld [tilespmem:s3+$0x30];
	(xrf2) =	vadd.scan.msk.f32 $0xffff, v12  }
0x69: {  	s14 =	sadd.s32 $0x5, s17  }
0x6a: {  	s2 =	sand.u32 $0x5, s14  }
0x6b: {  	s7 =	sor.u32 s2, s18  }
0x6c: {  	v60 =	vld [tilespmem:s7+$0x0];
	v18 =	vadd.f32 v56, v14;
	v17 =	vadd.f32 v57, v16  }
0x6d: {  	v15 =	vadd.f32 v58, v28;
	v13 =	vadd.f32 v59, v29;
	_ =	sdelay $0x1  }
0x6e: {  	v61 =	vmul.f32 v18, v18;
	v32 =	vadd.f32 v17, v18;
	v33 =	vadd.f32 v13, v15;
	s7 =	spop (v2sf)  }
0x6f: {  	v62 =	vmul.f32 v15, v15;
	v31 =	vmul.f32 v13, v13;
	s4 =	spop (v2sf)  }
0x70: {  	v30 =	vmul.f32 v17, v17;
	v36 =	vadd.f32 v33, v32;
	(v2sf) =	vpush v60, $0x0;
	v34, _, _ =	vpop (xrf2);
	s19 =	smul.f32 $1.562500000e-02, s4;
	s10 =	spop (v2sf)  }
0x71: {  	v19 =	vadd.f32 v31, v62;
	v63, _, _ =	vpop (xrf2);
	(v2sf) =	vpush v34, $0xF;
	s8 =	smul.f32 $1.562500000e-02, s10  }
0x72: {  	v37 =	vld [tilespmem:s3+$0x40];
	v12 =	vadd.f32 v30, v61;
	(xrf2) =	vadd.scan.msk.f32 $0xffff, v36;
	(v2sf) =	vpush v63, $0xF;
	s12 =	smul.f32 s19, s19  }
0x73: {  	v38 =	vld [tilespmem:s3+$0x50]  }
0x74: {  	s16 =	sadd.s32 $0x6, s17;
	v39 =	vld [tilespmem:s3+$0x60];
	v12 =	vadd.f32 v19, v12;
	s8 =	ssub.f32 s8, s12  }
0x75: {  	v40 =	vld [tilespmem:s3+$0x70];
	s15 =	sand.u32 $0x6, s16  }
0x76: {  	(xrf2) =	vadd.scan.msk.f32 $0xffff, v12;
	s10 =	sor.u32 s15, s18;
	s8 =	sadd.f32 $9.999999930e-09, s8  }
0x77: {  	v41 =	vld [tilespmem:s10+$0x0]  }
0x78: {  	v16 =	vadd.f32 v38, v16;
	s20 =	sshrl.u32 s8, $0x1;
	s21 =	smul.f32 $5.000000000e-01, s8  }
0x79: {  	v19 =	vadd.f32 v37, v14;
	v14 =	vadd.f32 v39, v28;
	s10 =	ssub.s32 $0x5F3759DF, s20  }
0x7a: {  	v43 =	vmul.f32 v16, v16;
	v12 =	vadd.f32 v40, v29;
	s8 =	smul.f32 s10, s21  }
0x7b: {  	v42 =	vmul.f32 v19, v19;
	v44 =	vmul.f32 v14, v14  }
0x7c: {  	v32 =	vadd.f32 v16, v19;
	v45 =	vmul.f32 v12, v12;
	v47, _, _ =	vpop (xrf2);
	(v2sf) =	vpush v41, $0x0;
	s8 =	smul.f32 s10, s8  }
0x7d: {  	v46 =	vadd.f32 v12, v14;
	(v2sf) =	vpush v47, $0xF  }
0x7e: {  	v28 =	vadd.f32 v43, v42;
	v48 =	vadd.f32 v45, v44;
	s30 =	ssub.f32 $1.500000000e+00, s8  }
0x7f: {  	v50 =	vadd.f32 v46, v32;
	s8 =	spop (v2sf)  }
0x80: {  	v28 =	vadd.f32 v48, v28;
	v49, _, _ =	vpop (xrf2);
	s22 =	spop (v2sf);
	s10 =	smul.f32 s10, s30  }
0x81: {  	(xrf2) =	vadd.scan.msk.f32 $0xffff, v50;
	(v2sf) =	vpush v49, $0xF;
	s31 =	smul.f32 $1.562500000e-02, s22;
	s25 =	spop (v2sf)  }
0x82: {  	(xrf2) =	vadd.scan.msk.f32 $0xffff, v28;
	s30 =	smul.f32 $1.562500000e-02, s25  }
0x83: {  	s17 =	sadd.s32 $0x7, s17;
	s12 =	smul.f32 s31, s31  }
0x84: {  	s2 =	sand.u32 $0x7, s17;
	s20 =	smul.f32 s10, s21  }
0x85: {  	s2 =	sor.u32 s2, s18;
	s12 =	ssub.f32 s30, s12  }
0x86: {  	v51 =	vld [tilespmem:s2+$0x0];
	s26 =	smul.f32 s20, s10  }
0x87: {  	s12 =	sadd.f32 $9.999999930e-09, s12  }
0x88: {  	s2 =	ssub.f32 $1.500000000e+00, s26  }
0x89: {  	s30 =	sshrl.u32 s12, $0x1;
	s12 =	smul.f32 $5.000000000e-01, s12  }
0x8a: {  	s2 =	smul.f32 s2, s10;
	s18 =	ssub.s32 $0x5F3759DF, s30  }
0x8b: {  	v52, _, _ =	vpop (xrf2);
	(v2sf) =	vpush v51, $0x0;
	s10 =	spop (v2sf);
	s4 =	smul.f32 s18, s12  }
0x8c: {  	v53, _, _ =	vpop (xrf2);
	(v2sf) =	vpush v52, $0xF;
	s15 =	spop (v2sf);
	s21 =	smul.f32 s2, s21  }
0x8d: {  	(v2sf) =	vpush v53, $0xF;
	s30 =	smul.f32 $1.562500000e-02, s15  }
0x8e: {  	s20 =	smul.f32 s18, s4  }
0x8f: {  	s4 =	smul.f32 s30, s30  }
0x90: {  	s22 =	spop (v2sf);
	s20 =	ssub.f32 $1.500000000e+00, s20  }
0x91: {  	s22 =	smul.f32 $1.562500000e-02, s22  }
0x92: {  	s18 =	smul.f32 s18, s20  }
0x93: {  	s21 =	smul.f32 s21, s2;
	s4 =	ssub.f32 s22, s4  }
0x94: {  	s22 =	smul.f32 s18, s12  }
0x95: {  	s4 =	sadd.f32 $9.999999930e-09, s4  }
0x96: {  	s20 =	ssub.f32 $1.500000000e+00, s21;
	s21 =	smul.f32 s22, s18  }
0x97: {  	s25 =	sshrl.u32 s4, $0x1;
	s4 =	smul.f32 $5.000000000e-01, s4  }
0x98: {  	s2 =	smul.f32 s20, s2;
	s22 =	ssub.s32 $0x5F3759DF, s25;
	s26 =	ssub.f32 $1.500000000e+00, s21  }
0x99: {  	s25 =	smul.f32 s22, s4  }
0x9a: {  	s21 =	spop (v2sf);
	s20 =	smul.f32 s26, s18  }
0x9b: {  	s15 =	spop (v2sf);
	s25 =	smul.f32 s22, s25  }
0x9c: {  	s18 =	smul.f32 $1.562500000e-02, s15;
	s26 =	spop (v2sf)  }
0x9d: {  	p1 =	seq.s32 s7, $0x0;
	s7 =	smul.f32 $1.562500000e-02, s26  }
0x9e: {  	s26 =	smul.f32 s18, s18  }
0x9f: {  	s25 =	ssub.f32 $1.500000000e+00, s25  }
0xa0: {  	s15 =	simm.f32 $0.0e+00;
	s7 =	ssub.f32 s7, s26  }
0xa1: {  	s15 =	simm.s32 @!p1 $0x3F800000;
	s22 =	smul.f32 s22, s25  }
0xa2: {  	v54 =	vmov s19;
	s2 =	smul.f32 s2, s15;
	s7 =	sadd.f32 $9.999999930e-09, s7  }
0xa3: {  	v22 =	vsub.f32 v22, v54;
	s25 =	smul.f32 s22, s4  }
0xa4: {  	v23 =	vsub.f32 v23, v54;
	v20 =	vsub.f32 v20, v54;
	v55 =	vmov s31;
	s26 =	sshrl.u32 s7, $0x1;
	s7 =	smul.f32 $5.000000000e-01, s7  }
0xa5: {  	v21 =	vsub.f32 v21, v54;
	v27 =	vsub.f32 v27, v55;
	s19 =	smul.f32 s25, s22;
	s25 =	ssub.s32 $0x5F3759DF, s26  }
0xa6: {  	v25 =	vsub.f32 v25, v55;
	v26 =	vsub.f32 v26, v55;
	v63 =	vmov s30;
	s26 =	smul.f32 s25, s7  }
0xa7: {  	v24 =	vsub.f32 v24, v55;
	v18 =	vsub.f32 v18, v63;
	s12 =	smul.f32 s20, s12  }
0xa8: {  	v17 =	vsub.f32 v17, v63;
	v15 =	vsub.f32 v15, v63;
	p1 =	seq.s32 s8, $0x0;
	v56 =	vmul.f32 s15, v8;
	s8 =	smul.f32 s25, s26  }
0xa9: {  	v13 =	vsub.f32 v13, v63;
	v58 =	vmul.f32 s15, v9;
	v60 =	vmul.f32 s15, v10;
	s12 =	smul.f32 s12, s20  }
0xaa: {  	v61 =	vmul.f32 s15, v11;
	v48 =	vmov s18;
	v22 =	vmul.f32 s2, v22;
	s8 =	ssub.f32 $1.500000000e+00, s8  }
0xab: {  	v19 =	vsub.f32 v19, v48;
	v23 =	vmul.f32 s2, v23;
	v20 =	vmul.f32 s2, v20;
	s12 =	ssub.f32 $1.500000000e+00, s12  }
0xac: {  	v16 =	vsub.f32 v16, v48;
	v21 =	vmul.f32 s2, v21;
	v22 =	vmul.f32 v22, v4;
	s8 =	smul.f32 s25, s8  }
0xad: {  	v14 =	vsub.f32 v14, v48;
	v23 =	vmul.f32 v23, v5;
	v20 =	vmul.f32 v20, v6;
	s12 =	smul.f32 s12, s20;
	s19 =	ssub.f32 $1.500000000e+00, s19  }
0xae: {  	v12 =	vsub.f32 v12, v48;
	v21 =	vmul.f32 v21, v7;
	s20 =	sshll.u32 s13, $0xD;
	v22 =	vadd.f32 v22, v56;
	s31 =	smul.f32 s8, s7  }
0xaf: {  	v23 =	vadd.f32 v23, v58;
	v20 =	vadd.f32 v20, v60;
	v57 =	vor.u32 s20, v0;
	s26 =	smul.f32 s19, s22;
	s19 =	simm.f32 $0.0e+00  }
0xb0: {  	v59 =	vor.u32 s20, v1;
	v62 =	vor.u32 s20, v2;
	v35 =	vor.u32 s20, v3;
	s20 =	sand.u32 $0x7C, s11;
	s19 =	simm.s32 @!p1 $0x3F800000;
	s22 =	smul.f32 s31, s8  }
0xb1: {  	v21 =	vadd.f32 v21, v61;
	v36 =	vor.u32 s20, v57;
	p1 =	seq.s32 s10, $0x0;
	s10 =	simm.f32 $0.0e+00;
	s4 =	smul.f32 s26, s4;
	v38 =	vmul.f32 s19, v8  }
0xb2: {  	v37 =	vor.u32 s20, v59;
	s12 =	smul.f32 s12, s19;
	v40 =	vmul.f32 s19, v9;
	v41 =	vmul.f32 s19, v10;
	s10 =	simm.s32 @!p1 $0x3F800000;
	s25 =	ssub.f32 $1.500000000e+00, s22  }
0xb3: {  	v39 =	vor.u32 s20, v62;
	v43 =	vmul.f32 s19, v11;
	v47 =	vmul.f32 s10, v9;
	s4 =	smul.f32 s4, s26  }
0xb4: {  	s30 =	sand.u32 $0x7E, s16;
	v42 =	vor.u32 s20, v35;
	v50 =	vmul.f32 s10, v10;
	v52 =	vmul.f32 s10, v11;
	s2 =	smul.f32 s25, s8  }
0xb5: {  	v49 =	vor.u32 s30, v57;
	v27 =	vmul.f32 s12, v27;
	v25 =	vmul.f32 s12, v25;
	s4 =	ssub.f32 $1.500000000e+00, s4  }
0xb6: {  	v51 =	vor.u32 s30, v59;
	v26 =	vmul.f32 s12, v26;
	v24 =	vmul.f32 s12, v24;
	s7 =	smul.f32 s2, s7  }
0xb7: {  	v53 =	vor.u32 s30, v62;
	v27 =	vmul.f32 v27, v4;
	v25 =	vmul.f32 v25, v5;
	s4 =	smul.f32 s4, s26  }
0xb8: {  	v55 =	vor.u32 s30, v35;
	v26 =	vmul.f32 v26, v6;
	v24 =	vmul.f32 v24, v7;
	s26 =	sand.u32 $0x7D, s14;
	s7 =	smul.f32 s7, s2  }
0xb9: {  	v27 =	vadd.f32 v27, v38;
	v25 =	vadd.f32 v25, v40;
	v40 =	vor.u32 s26, v57  }
0xba: {  	[tilespmem:v36+s24+$0x0] =	vst.idx.msk $0xffff, v22;
	v26 =	vadd.f32 v26, v41;
	v24 =	vadd.f32 v24, v43;
	v44 =	vor.u32 s26, v59;
	s4 =	smul.f32 s4, s10;
	s7 =	ssub.f32 $1.500000000e+00, s7  }
0xbb: {  	[tilespmem:v37+s24+$0x0] =	vst.idx.msk $0xffff, v23;
	v43 =	vmul.f32 s10, v8;
	s31 =	sand.u32 $0x7F, s17;
	v45 =	vor.u32 s26, v62;
	v46 =	vor.u32 s26, v35  }
0xbc: {  	p1 =	seq.s32 s21, $0x0;
	[tilespmem:v39+s24+$0x0] =	vst.idx.msk $0xffff, v20;
	v56 =	vor.u32 s31, v57;
	v18 =	vmul.f32 s4, v18;
	v17 =	vmul.f32 s4, v17;
	s2 =	smul.f32 s7, s2;
	s7 =	simm.f32 $0.0e+00  }
0xbd: {  	[tilespmem:v42+s24+$0x0] =	vst.idx.msk $0xffff, v21;
	v57 =	vor.u32 s31, v59;
	v15 =	vmul.f32 s4, v15;
	v13 =	vmul.f32 s4, v13;
	s7 =	simm.s32 @!p1 $0x3F800000  }
0xbe: {  	v59 =	vor.u32 s31, v62;
	v18 =	vmul.f32 v18, v4;
	v17 =	vmul.f32 v17, v5;
	[tilespmem:v40+s24+$0x0] =	vst.idx.msk $0xffff, v27;
	s2 =	smul.f32 s2, s7  }
0xbf: {  	v61 =	vor.u32 s31, v35;
	v15 =	vmul.f32 v15, v6;
	v13 =	vmul.f32 v13, v7;
	[tilespmem:v44+s24+$0x0] =	vst.idx.msk $0xffff, v25  }
0xc0: {  	v18 =	vadd.f32 v18, v43;
	[tilespmem:v45+s24+$0x0] =	vst.idx.msk $0xffff, v26;
	v54 =	vmul.f32 s7, v8;
	v19 =	vmul.f32 s2, v19  }
0xc1: {  	v17 =	vadd.f32 v17, v47;
	[tilespmem:v46+s24+$0x0] =	vst.idx.msk $0xffff, v24;
	v58 =	vmul.f32 s7, v9;
	v16 =	vmul.f32 s2, v16  }
0xc2: {  	v15 =	vadd.f32 v15, v50;
	[tilespmem:v49+s24+$0x0] =	vst.idx.msk $0xffff, v18;
	v14 =	vmul.f32 s2, v14;
	v19 =	vmul.f32 v19, v4  }
0xc3: {  	v13 =	vadd.f32 v13, v52;
	[tilespmem:v51+s24+$0x0] =	vst.idx.msk $0xffff, v17;
	v12 =	vmul.f32 s2, v12;
	v16 =	vmul.f32 v16, v5  }
0xc4: {  	[tilespmem:v53+s24+$0x0] =	vst.idx.msk $0xffff, v15;
	p1 =	slt.u32 s11, $0xFC;
	v60 =	vmul.f32 s7, v10;
	v14 =	vmul.f32 v14, v6;
	v19 =	vadd.f32 v19, v54  }
.Ltmp3:
0xc5: {  	[tilespmem:v55+s24+$0x0] =	vst.idx.msk $0xffff, v13;
	v63 =	vmul.f32 s7, v11;
	v12 =	vmul.f32 v12, v7;
	v62 =	vadd.f32 v16, v58;
	(pc) =	sbr.rel @p1 .LBB2_5-.Ltmp3, $4  }
0xc6: {  	v14 =	vadd.f32 v14, v60;
	[tilespmem:v56+s24+$0x0] =	vst.idx.msk $0xffff, v19  }
0xc7: {  	v12 =	vadd.f32 v12, v63;
	[tilespmem:v57+s24+$0x0] =	vst.idx.msk $0xffff, v62  }
0xc8: {  	[tilespmem:v59+s24+$0x0] =	vst.idx.msk $0xffff, v14  }
0xc9: {  	s3 =	sadd.s32 $0x100, s3;
	s17 =	smov.u32 s11;
	[tilespmem:v61+s24+$0x0] =	vst.idx.msk $0xffff, v12  }
0xca: {  	s2 =	sshll.u32 s0, $0x14  }
0xcb: {  	p1 =	seq.s32 s0, $0x31;
	s2 =	sor.u32 s9, s2  }
0xcc: {  	s3 =	rddreg [dreg:$0x3];
	s4 =	simm.s32 $0x400;
	s2 =	sshrl.u32 s2, $0x3  }
0xcd: {  	s7 =	simm.s32 $0x8000;
	s2 =	sadd.s32 s3, s2;
	s3 =	smul.u32 @!p1 $0x900, s0  }
0xce: {  	[hbm4b:s2+s4] =	stream.strided.scatter [tilespmem:s24], [sflag:$0x3], $0x4000, s7, s4, $0x38;
	[tilespmem:$0x1A300] =	vst v63  }
0xcf: {  	s2 =	sshra.s32 @!p1 s3, $0x2  }
0xd0: {  	s4 =	simm.s32 @!p1 $0x80;
	s7 =	simm.s32 @!p1 $0x7080;
	s3 =	sadd.s32 @!p1 $0x240, s2  }
0xd1: {  	[tilespmem:s7], [sflag:$0x1] =	stream.indirect.gather @!p1 [hbm4b:s6+s4], $0x40, s3, s4, $0xb8;
	[tilespmem:$0x1A300] =	vst v63  }
0xd2: {  	s2 =	sadd.s32 @!p1 $0x2D0, s2;
	s3 =	simm.s32 @!p1 $0x9080  }
0xd3: {  	[tilespmem:s3], [sflag:$0x1] =	stream.indirect.gather @!p1 [hbm4b:s6+s4], $0x40, s2, s4, $0xb8;
	[tilespmem:$0x1A300] =	vst v63  }
0xd4: {  	_ =	swait.ge [sflag:s28], $0x2000  }
0xd5: {  	[sflag:s28] =	ssyncset.done $0x0  }
0xd6: {  	[sflag:s28] =	ssyncadd.s32 $0xFFFFE000  }
0xd7: {  	_ =	swait.ge [sflag:s28], $0x2000  }
0xd8: {  	[sflag:s28] =	ssyncset.done $0x0  }
0xd9: {  	s2 =	simm.s32 @!p0 $0x4;
	[sflag:s28] =	ssyncadd.s32 $0xFFFFE000  }
0xda: {  	_ =	swait.ge @!p0 [sflag:s2], $0x4000  }
0xdb: {  	s1 =	sor.u32 $0x2, s1;
	[sflag:s2] =	ssyncset.done @!p0 $0x0  }
0xdc: {  	s17 =	simm.s32 $0xFFFFFFFC;
	s3 =	simm.s32 $0xB100;
	[sflag:s2] =	ssyncadd.s32 @!p0 $0xFFFFC000  }
.LBB2_7:
0xdd: {  	s11 =	sadd.s32 $0x4, s17  }
0xde: {  	v12 =	vld [tilespmem:s3+$0xFFFFFF80];
	s13 =	sshrl.u32 s11, $0x7  }
0xdf: {  	v13 =	vld [tilespmem:s3+$0xFFFFFF90];
	s2 =	sor.u32 s1, s13  }
0xe0: {  	v15 =	vld [tilespmem:s3+$0xFFFFFFA0];
	s4 =	sshll.u32 s2, $0x6  }
0xe1: {  	v17 =	vld [tilespmem:s3+$0xFFFFFFB0];
	s4 =	sand.u32 $0x3FFFFFC0, s4  }
0xe2: {  	v14 =	vld [tilespmem:s4+$0x17080]  }
0xe3: {  	v16 =	vld [tilespmem:s4+$0x17090]  }
0xe4: {  	v28 =	vld [tilespmem:s4+$0x170A0]  }
0xe5: {  	v29 =	vld [tilespmem:s4+$0x170B0];
	_ =	sdelay $0x3  }
0xe6: {  	v22 =	vadd.f32 v14, v12;
	v23 =	vadd.f32 v16, v13  }
0xe7: {  	v20 =	vadd.f32 v28, v15;
	v21 =	vadd.f32 v29, v17  }
0xe8: {  	v12 =	vmul.f32 v22, v22;
	v13 =	vmul.f32 v23, v23  }
0xe9: {  	v15 =	vmul.f32 v20, v20;
	v17 =	vmul.f32 v21, v21  }
0xea: {  	v18 =	vadd.f32 v23, v22;
	v19 =	vadd.f32 v21, v20  }
0xeb: {  	v12 =	vadd.f32 v13, v12;
	v41 =	vadd.f32 v17, v15  }
0xec: {  	v42 =	vadd.f32 v19, v18  }
0xed: {  	v12 =	vadd.f32 v41, v12  }
0xee: {  	s2 =	smul.u32 $0x240, s2;
	(xrf2) =	vadd.scan.msk.f32 $0xffff, v42  }
0xef: {  	v44 =	vld [tilespmem:s3+$0xFFFFFFC0];
	(xrf2) =	vadd.scan.msk.f32 $0xffff, v12  }
0xf0: {  	v45 =	vld [tilespmem:s3+$0xFFFFFFD0];
	s22 =	sand.u32 $0x78, s11;
	s2 =	sshra.s32 s2, $0x2  }
0xf1: {  	v46 =	vld [tilespmem:s3+$0xFFFFFFE0];
	s7 =	sand.u32 $0x4, s11;
	s18 =	sadd.s32 s22, s2  }
0xf2: {  	v47 =	vld [tilespmem:s3+$0xFFFFFFF0];
	s2 =	sor.u32 s7, s18  }
0xf3: {  	v43 =	vld [tilespmem:s2+$0x0];
	_ =	sdelay $0x2  }
0xf4: {  	v27 =	vadd.f32 v44, v14  }
0xf5: {  	v25 =	vadd.f32 v45, v16;
	v26 =	vadd.f32 v46, v28  }
0xf6: {  	v24 =	vadd.f32 v47, v29;
	(v2sf) =	vpush v43, $0x0;
	v48, _, _ =	vpop (xrf2)  }
0xf7: {  	v50 =	vmul.f32 v27, v27;
	v51 =	vmul.f32 v26, v26;
	(v2sf) =	vpush v48, $0xF;
	v49, _, _ =	vpop (xrf2)  }
0xf8: {  	v52 =	vmul.f32 v24, v24;
	v15 =	vmul.f32 v25, v25;
	(v2sf) =	vpush v49, $0xF  }
0xf9: {  	v53 =	vadd.f32 v25, v27;
	v54 =	vadd.f32 v24, v26  }
0xfa: {  	v13 =	vadd.f32 v15, v50;
	v12 =	vadd.f32 v52, v51  }
0xfb: {  	v56 =	vld [tilespmem:s3+$0x0];
	v55 =	vadd.f32 v54, v53  }
0xfc: {  	v57 =	vld [tilespmem:s3+$0x10];
	v12 =	vadd.f32 v12, v13  }
0xfd: {  	v58 =	vld [tilespmem:s3+$0x20];
	(xrf2) =	vadd.scan.msk.f32 $0xffff, v55  }
0xfe: {  	v59 =	vld [tilespmem:s3+$0x30];
	(xrf2) =	vadd.scan.msk.f32 $0xffff, v12  }
0xff: {  	s14 =	sadd.s32 $0x5, s17  }
0x100: {  	s25 =	sand.u32 $0x5, s14  }
0x101: {  	s2 =	sor.u32 s25, s18  }
0x102: {  	v60 =	vld [tilespmem:s2+$0x0];
	v18 =	vadd.f32 v56, v14;
	v17 =	vadd.f32 v57, v16  }
0x103: {  	v15 =	vadd.f32 v58, v28;
	v13 =	vadd.f32 v59, v29;
	_ =	sdelay $0x1  }
0x104: {  	v61 =	vmul.f32 v18, v18;
	v32 =	vadd.f32 v17, v18;
	v33 =	vadd.f32 v13, v15;
	s7 =	spop (v2sf)  }
0x105: {  	v62 =	vmul.f32 v15, v15;
	v31 =	vmul.f32 v13, v13;
	s26 =	spop (v2sf)  }
0x106: {  	v30 =	vmul.f32 v17, v17;
	v36 =	vadd.f32 v33, v32;
	(v2sf) =	vpush v60, $0x0;
	v34, _, _ =	vpop (xrf2);
	s19 =	smul.f32 $1.562500000e-02, s26;
	s30 =	spop (v2sf)  }
0x107: {  	v19 =	vadd.f32 v31, v62;
	v63, _, _ =	vpop (xrf2);
	(v2sf) =	vpush v34, $0xF;
	s2 =	smul.f32 $1.562500000e-02, s30  }
0x108: {  	v37 =	vld [tilespmem:s3+$0x40];
	v12 =	vadd.f32 v30, v61;
	(xrf2) =	vadd.scan.msk.f32 $0xffff, v36;
	(v2sf) =	vpush v63, $0xF;
	s31 =	smul.f32 s19, s19  }
0x109: {  	v38 =	vld [tilespmem:s3+$0x50]  }
0x10a: {  	s16 =	sadd.s32 $0x6, s17;
	v39 =	vld [tilespmem:s3+$0x60];
	v12 =	vadd.f32 v19, v12;
	s2 =	ssub.f32 s2, s31  }
0x10b: {  	v40 =	vld [tilespmem:s3+$0x70];
	s8 =	sand.u32 $0x6, s16  }
0x10c: {  	s4 =	sor.u32 s8, s18;
	(xrf2) =	vadd.scan.msk.f32 $0xffff, v12;
	s2 =	sadd.f32 $9.999999930e-09, s2  }
0x10d: {  	v41 =	vld [tilespmem:s4+$0x0]  }
0x10e: {  	v16 =	vadd.f32 v38, v16;
	s10 =	sshrl.u32 s2, $0x1;
	s2 =	smul.f32 $5.000000000e-01, s2  }
0x10f: {  	v19 =	vadd.f32 v37, v14;
	v14 =	vadd.f32 v39, v28;
	s4 =	ssub.s32 $0x5F3759DF, s10  }
0x110: {  	v43 =	vmul.f32 v16, v16;
	v12 =	vadd.f32 v40, v29;
	s8 =	smul.f32 s4, s2  }
0x111: {  	v42 =	vmul.f32 v19, v19;
	v44 =	vmul.f32 v14, v14  }
0x112: {  	v32 =	vadd.f32 v16, v19;
	v45 =	vmul.f32 v12, v12;
	(v2sf) =	vpush v41, $0x0;
	v47, _, _ =	vpop (xrf2);
	s8 =	smul.f32 s4, s8  }
0x113: {  	v46 =	vadd.f32 v12, v14;
	(v2sf) =	vpush v47, $0xF  }
0x114: {  	v28 =	vadd.f32 v43, v42;
	v48 =	vadd.f32 v45, v44;
	s10 =	ssub.f32 $1.500000000e+00, s8  }
0x115: {  	v50 =	vadd.f32 v46, v32;
	s8 =	spop (v2sf)  }
0x116: {  	v28 =	vadd.f32 v48, v28;
	v49, _, _ =	vpop (xrf2);
	s12 =	spop (v2sf);
	s4 =	smul.f32 s4, s10  }
0x117: {  	(xrf2) =	vadd.scan.msk.f32 $0xffff, v50;
	(v2sf) =	vpush v49, $0xF;
	s31 =	smul.f32 $1.562500000e-02, s12;
	s15 =	spop (v2sf)  }
0x118: {  	(xrf2) =	vadd.scan.msk.f32 $0xffff, v28;
	s10 =	smul.f32 $1.562500000e-02, s15  }
0x119: {  	s17 =	sadd.s32 $0x7, s17;
	s12 =	smul.f32 s31, s31  }
0x11a: {  	s15 =	sand.u32 $0x7, s17;
	s20 =	smul.f32 s4, s2  }
0x11b: {  	s15 =	sor.u32 s15, s18;
	s10 =	ssub.f32 s10, s12  }
0x11c: {  	v51 =	vld [tilespmem:s15+$0x0];
	s20 =	smul.f32 s20, s4  }
0x11d: {  	s10 =	sadd.f32 $9.999999930e-09, s10  }
0x11e: {  	s12 =	ssub.f32 $1.500000000e+00, s20  }
0x11f: {  	s21 =	sshrl.u32 s10, $0x1;
	s20 =	smul.f32 $5.000000000e-01, s10  }
0x120: {  	s4 =	smul.f32 s12, s4;
	s12 =	ssub.s32 $0x5F3759DF, s21  }
0x121: {  	v52, _, _ =	vpop (xrf2);
	(v2sf) =	vpush v51, $0x0;
	s10 =	spop (v2sf);
	s15 =	smul.f32 s12, s20  }
0x122: {  	v53, _, _ =	vpop (xrf2);
	(v2sf) =	vpush v52, $0xF;
	s22 =	spop (v2sf);
	s2 =	smul.f32 s4, s2  }
0x123: {  	(v2sf) =	vpush v53, $0xF;
	s30 =	smul.f32 $1.562500000e-02, s22  }
0x124: {  	s15 =	smul.f32 s12, s15  }
0x125: {  	s26 =	smul.f32 s30, s30  }
0x126: {  	s21 =	spop (v2sf);
	s15 =	ssub.f32 $1.500000000e+00, s15  }
0x127: {  	s25 =	smul.f32 $1.562500000e-02, s21  }
0x128: {  	s12 =	smul.f32 s12, s15  }
0x129: {  	s2 =	smul.f32 s2, s4;
	s22 =	ssub.f32 s25, s26  }
0x12a: {  	s25 =	smul.f32 s12, s20  }
0x12b: {  	s15 =	sadd.f32 $9.999999930e-09, s22  }
0x12c: {  	s2 =	ssub.f32 $1.500000000e+00, s2;
	s18 =	smul.f32 s25, s12  }
0x12d: {  	s26 =	sshrl.u32 s15, $0x1;
	s15 =	smul.f32 $5.000000000e-01, s15  }
0x12e: {  	s2 =	smul.f32 s2, s4;
	s22 =	ssub.s32 $0x5F3759DF, s26;
	s18 =	ssub.f32 $1.500000000e+00, s18  }
0x12f: {  	s25 =	smul.f32 s22, s15  }
0x130: {  	s21 =	spop (v2sf);
	s4 =	smul.f32 s18, s12  }
0x131: {  	s26 =	spop (v2sf);
	s25 =	smul.f32 s22, s25  }
0x132: {  	s18 =	smul.f32 $1.562500000e-02, s26;
	s12 =	spop (v2sf)  }
0x133: {  	p0 =	seq.s32 s7, $0x0;
	s7 =	smul.f32 $1.562500000e-02, s12  }
0x134: {  	s26 =	simm.f32 $0.0e+00;
	s12 =	smul.f32 s18, s18  }
0x135: {  	s26 =	simm.s32 @!p0 $0x3F800000;
	s25 =	ssub.f32 $1.500000000e+00, s25;
	s20 =	smul.f32 s4, s20  }
0x136: {  	s2 =	smul.f32 s2, s26;
	s7 =	ssub.f32 s7, s12  }
0x137: {  	v54 =	vmov s19;
	s12 =	smul.f32 s22, s25  }
0x138: {  	v22 =	vsub.f32 v22, v54;
	s20 =	smul.f32 s20, s4;
	s7 =	sadd.f32 $9.999999930e-09, s7  }
0x139: {  	v23 =	vsub.f32 v23, v54;
	v20 =	vsub.f32 v20, v54;
	v55 =	vmov s31;
	s22 =	smul.f32 s12, s15  }
0x13a: {  	v21 =	vsub.f32 v21, v54;
	v27 =	vsub.f32 v27, v55;
	s25 =	sshrl.u32 s7, $0x1;
	s7 =	smul.f32 $5.000000000e-01, s7  }
0x13b: {  	v25 =	vsub.f32 v25, v55;
	v26 =	vsub.f32 v26, v55;
	v63 =	vmov s30;
	s19 =	ssub.f32 $1.500000000e+00, s20;
	s20 =	smul.f32 s22, s12;
	s22 =	ssub.s32 $0x5F3759DF, s25  }
0x13c: {  	v24 =	vsub.f32 v24, v55;
	v18 =	vsub.f32 v18, v63;
	s25 =	smul.f32 s22, s7  }
0x13d: {  	v17 =	vsub.f32 v17, v63;
	v15 =	vsub.f32 v15, v63;
	s4 =	smul.f32 s19, s4  }
0x13e: {  	v13 =	vsub.f32 v13, v63;
	v56 =	vmul.f32 s26, v8;
	v58 =	vmul.f32 s26, v9;
	s19 =	ssub.f32 $1.500000000e+00, s20;
	s20 =	smul.f32 s22, s25  }
0x13f: {  	v60 =	vmul.f32 s26, v10;
	v61 =	vmul.f32 s26, v11;
	v48 =	vmov s18  }
0x140: {  	p0 =	seq.s32 s8, $0x0;
	v19 =	vsub.f32 v19, v48;
	v22 =	vmul.f32 s2, v22;
	v23 =	vmul.f32 s2, v23;
	s8 =	ssub.f32 $1.500000000e+00, s20  }
0x141: {  	v16 =	vsub.f32 v16, v48;
	v20 =	vmul.f32 s2, v20;
	v21 =	vmul.f32 s2, v21  }
0x142: {  	v14 =	vsub.f32 v14, v48;
	v22 =	vmul.f32 v22, v4;
	v23 =	vmul.f32 v23, v5;
	s8 =	smul.f32 s22, s8  }
0x143: {  	v12 =	vsub.f32 v12, v48;
	v20 =	vmul.f32 v20, v6;
	v21 =	vmul.f32 v21, v7  }
0x144: {  	v22 =	vadd.f32 v22, v56;
	v23 =	vadd.f32 v23, v58;
	s26 =	smul.f32 s8, s7  }
0x145: {  	v20 =	vadd.f32 v20, v60;
	v21 =	vadd.f32 v21, v61;
	s25 =	sshll.u32 s13, $0xD;
	s12 =	smul.f32 s19, s12  }
0x146: {  	s31 =	sand.u32 $0x7C, s11;
	s13 =	simm.f32 $0.0e+00;
	v57 =	vor.u32 s25, v0;
	v59 =	vor.u32 s25, v1;
	v62 =	vor.u32 s25, v2;
	s22 =	smul.f32 s26, s8  }
0x147: {  	s13 =	simm.s32 @!p0 $0x3F800000;
	v35 =	vor.u32 s25, v3;
	s15 =	smul.f32 s12, s15;
	v36 =	vor.u32 s31, v57;
	v37 =	vor.u32 s31, v59  }
0x148: {  	s4 =	smul.f32 s4, s13;
	v38 =	vmul.f32 s13, v8;
	v39 =	vor.u32 s31, v62;
	v40 =	vmul.f32 s13, v9;
	s25 =	ssub.f32 $1.500000000e+00, s22  }
0x149: {  	s30 =	sand.u32 $0x7E, s16;
	v41 =	vmul.f32 s13, v10;
	v42 =	vor.u32 s31, v35;
	v43 =	vmul.f32 s13, v11;
	s20 =	smul.f32 s15, s12  }
0x14a: {  	p0 =	seq.s32 s10, $0x0;
	s10 =	simm.f32 $0.0e+00;
	v49 =	vor.u32 s30, v57;
	v27 =	vmul.f32 s4, v27;
	v25 =	vmul.f32 s4, v25;
	s2 =	smul.f32 s25, s8  }
0x14b: {  	s10 =	simm.s32 @!p0 $0x3F800000;
	v51 =	vor.u32 s30, v59;
	v26 =	vmul.f32 s4, v26;
	v24 =	vmul.f32 s4, v24;
	s4 =	ssub.f32 $1.500000000e+00, s20  }
0x14c: {  	v53 =	vor.u32 s30, v62;
	v47 =	vmul.f32 s10, v9;
	v50 =	vmul.f32 s10, v10;
	s7 =	smul.f32 s2, s7  }
0x14d: {  	v55 =	vor.u32 s30, v35;
	s31 =	sand.u32 $0x7F, s17;
	v52 =	vmul.f32 s10, v11;
	v25 =	vmul.f32 v25, v5;
	s4 =	smul.f32 s4, s12  }
0x14e: {  	v56 =	vor.u32 s31, v57;
	v61 =	vor.u32 s31, v35;
	v27 =	vmul.f32 v27, v4;
	s26 =	sand.u32 $0x7D, s14;
	s7 =	smul.f32 s7, s2  }
0x14f: {  	v24 =	vmul.f32 v24, v7;
	v25 =	vadd.f32 v25, v40;
	v40 =	vor.u32 s26, v57  }
0x150: {  	v26 =	vmul.f32 v26, v6;
	[tilespmem:v36+s29+$0x0] =	vst.idx.msk $0xffff, v22;
	v27 =	vadd.f32 v27, v38;
	v44 =	vor.u32 s26, v59;
	s4 =	smul.f32 s4, s10;
	s7 =	ssub.f32 $1.500000000e+00, s7  }
0x151: {  	v24 =	vadd.f32 v24, v43;
	v43 =	vmul.f32 s10, v8;
	[tilespmem:v37+s29+$0x0] =	vst.idx.msk $0xffff, v23;
	v45 =	vor.u32 s26, v62  }
0x152: {  	p0 =	seq.s32 s21, $0x0;
	v46 =	vor.u32 s26, v35;
	[tilespmem:v39+s29+$0x0] =	vst.idx.msk $0xffff, v20;
	v18 =	vmul.f32 s4, v18;
	v17 =	vmul.f32 s4, v17;
	s2 =	smul.f32 s7, s2;
	s7 =	simm.f32 $0.0e+00  }
0x153: {  	v26 =	vadd.f32 v26, v41;
	[tilespmem:v42+s29+$0x0] =	vst.idx.msk $0xffff, v21;
	v15 =	vmul.f32 s4, v15;
	v13 =	vmul.f32 s4, v13;
	s7 =	simm.s32 @!p0 $0x3F800000  }
0x154: {  	v57 =	vor.u32 s31, v59;
	v18 =	vmul.f32 v18, v4;
	v17 =	vmul.f32 v17, v5;
	[tilespmem:v40+s29+$0x0] =	vst.idx.msk $0xffff, v27;
	s2 =	smul.f32 s2, s7  }
0x155: {  	v59 =	vor.u32 s31, v62;
	v15 =	vmul.f32 v15, v6;
	v13 =	vmul.f32 v13, v7;
	[tilespmem:v44+s29+$0x0] =	vst.idx.msk $0xffff, v25  }
0x156: {  	v18 =	vadd.f32 v18, v43;
	[tilespmem:v45+s29+$0x0] =	vst.idx.msk $0xffff, v26;
	v54 =	vmul.f32 s7, v8;
	v19 =	vmul.f32 s2, v19  }
0x157: {  	v17 =	vadd.f32 v17, v47;
	[tilespmem:v46+s29+$0x0] =	vst.idx.msk $0xffff, v24;
	v58 =	vmul.f32 s7, v9;
	v16 =	vmul.f32 s2, v16  }
0x158: {  	v15 =	vadd.f32 v15, v50;
	[tilespmem:v49+s29+$0x0] =	vst.idx.msk $0xffff, v18;
	v14 =	vmul.f32 s2, v14;
	v19 =	vmul.f32 v19, v4  }
0x159: {  	v13 =	vadd.f32 v13, v52;
	[tilespmem:v51+s29+$0x0] =	vst.idx.msk $0xffff, v17;
	v12 =	vmul.f32 s2, v12;
	v16 =	vmul.f32 v16, v5  }
0x15a: {  	[tilespmem:v53+s29+$0x0] =	vst.idx.msk $0xffff, v15;
	p0 =	slt.u32 s11, $0xFC;
	v60 =	vmul.f32 s7, v10;
	v14 =	vmul.f32 v14, v6;
	v19 =	vadd.f32 v19, v54  }
.Ltmp4:
0x15b: {  	[tilespmem:v55+s29+$0x0] =	vst.idx.msk $0xffff, v13;
	v63 =	vmul.f32 s7, v11;
	v12 =	vmul.f32 v12, v7;
	v62 =	vadd.f32 v16, v58;
	(pc) =	sbr.rel @p0 .LBB2_7-.Ltmp4, $4  }
0x15c: {  	v14 =	vadd.f32 v14, v60;
	[tilespmem:v56+s29+$0x0] =	vst.idx.msk $0xffff, v19  }
0x15d: {  	v12 =	vadd.f32 v12, v63;
	[tilespmem:v57+s29+$0x0] =	vst.idx.msk $0xffff, v62  }
0x15e: {  	[tilespmem:v59+s29+$0x0] =	vst.idx.msk $0xffff, v14  }
0x15f: {  	s3 =	sadd.s32 $0x100, s3;
	s17 =	smov.u32 s11;
	[tilespmem:v61+s29+$0x0] =	vst.idx.msk $0xffff, v12  }
.Ltmp5:
0x160: {  	s1 =	sshll.u32 s1, $0x12;
	(pc) =	sbr.rel @p1 .LBB2_10-.Ltmp5, $4  }
0x161: {  	s1 =	sor.u32 s9, s1  }
0x162: {  	s2 =	rddreg [dreg:$0x3];
	s1 =	sshrl.u32 s1, $0x3  }
0x163: {  	s31 =	simm.s32 $0x400;
	s3 =	simm.s32 $0x8000;
	s1 =	sadd.s32 s2, s1  }
0x164: {  	[hbm4b:s1+s31] =	stream.strided.scatter [tilespmem:s29], [sflag:$0x4], $0x4000, s3, s31, $0x38;
	[tilespmem:$0x1A300] =	vst v63  }
0x165: {  	s1 =	smul.u32 $0x900, s0;
	_ =	sdelay $0x1  }
.Ltmp6:
0x166: {  	s1 =	sshra.s32 s1, $0x2;
	(pc) =	sbr.rel .LBB2_4-.Ltmp6, $4  }
0x167: {  	s3 =	simm.s32 $0x80;
	s4 =	simm.s32 $0xB080;
	s2 =	sadd.s32 $0x360, s1  }
0x168: {  	[tilespmem:s4], [sflag:$0x2] =	stream.indirect.gather [hbm4b:s6+s3], $0x40, s2, s3, $0xb8;
	[tilespmem:$0x1A300] =	vst v63  }
0x169: {  	s31 =	simm.s32 $0xD080;
	s0 =	sadd.s32 $0x1, s0;
	s1 =	sadd.s32 $0x3F0, s1  }
0x16a: {  	[tilespmem:s31], [sflag:$0x2] =	stream.indirect.gather [hbm4b:s6+s3], $0x40, s1, s3, $0xb8;
	[tilespmem:$0x1A300] =	vst v63  }
.LBB2_11:
0x16b: {  	_ =	sfence.sel $0x180000  }
0x16c: {  	[bflag:$0x0] =	sbarrier.arrive $0xFFFF  }
0x16d: {  	_ =	strace $0x90000047  }
0x16e: {  	s0 =	stileid.u32;
	[bflag:$0x2] =	sbarrier.arrive $0xFFFF  }
0x16f: {  	p0 =	sne.s32 s0, $0x0;
	s0 =	rddreg [dreg:$0x4]  }
0x170: {  	s0 =	sadd.s32 @!p0 $0x100000, s0  }
0x171: {  	[sflag:s0] =	ssyncadd.tile.s32 @!p0 $0x1;
	_ =	shalt  }
.Lfunc_end2:
_tile_overlayer_lowered:
.L_overlay_start_2:
0x172: {  	(tag) =	ssettag $0x2  }
0x173: {  	s0 =	rddreg [dreg:$0x0];
	s2 =	stileid.u32  }
0x174: {  	s1 =	rddreg [dreg:$0x1];
	p0 =	sne.s32 s2, $0x0  }
0x175: {  	s3 =	rddreg [dreg:$0x2];
	[bflag:$0x3] =	sbarrier.arrive $0xFFFF;
	s2 =	simm.s32 @!p0 $0x1C05  }
0x176: {  	[timem:s3], [sflag:s2] =	dma.local @!p0 [hbm:s0], s1  }
0x177: {  	s0 =	simm.s32 @!p0 $0x5  }
0x178: {  	_ =	swait.ge @!p0 [sflag:s0], s1  }
0x179: {  	s1 =	ssub.s32 @!p0 $0x0, s1;
	[sflag:s0] =	ssyncset.done @!p0 $0x0  }
0x17a: {  	[sflag:s0] =	ssyncadd.s32 @!p0 s1  }
0x17b: {  	[bflag:$0x3] =	sbarrier.arrive $0xFFFF  }
0x17c: {  	_ =	shalt  }

</sc_bundles>
